<compile_context>
chip_gen: v7x
topology: tpu7x:2x2x1
jax: 0.10.2.dev20260603
libtpu: 0.0.44.dev20260713+nightly
codegen_flags: <defaults>
</compile_context>

<pallas_src>
import functools

import jax
import jax.numpy as jnp
from jax import lax
from jax.experimental import pallas as pl
from jax.experimental.pallas import tpu as pltpu
from jax.experimental.pallas import tpu_sc as plsc

B = 1024
C = 100000
P = 50
EPS = 1e-07

C_MAIN = (C // 128) * 128
RPB = 8
N_STEPS = B // RPB
VR = (4 * C) // 128

ROW_SLABS = (
    (0, 781, None, (781, 0, 32)),
    (782, 780, (781, 32, 128), (1562, 0, 64)),
    (1563, 780, (1562, 64, 128), (2343, 0, 96)),
    (2344, 781, (2343, 96, 128), None),
)

NW = 32
PER_W = (B * P) // NW
CHUNK = 128
N_CHUNK = (PER_W + CHUNK - 1) // CHUNK
PAD_W = N_CHUNK * CHUNK


def _lse_cols(x):
    m = jnp.max(x, axis=1, keepdims=True)
    s = jnp.sum(jnp.exp(x - m), axis=1, keepdims=True)
    return m, s


def _loss_block(x_ref, ypos_ref, out_ref):
    x = x_ref[...]
    yp = ypos_ref[...]
    mm, sm = _lse_cols(x[:, :C_MAIN])
    mt, st = _lse_cols(x[:, C_MAIN:C])

    m = jnp.maximum(jnp.maximum(mm, mt), 0.0)
    s = sm * jnp.exp(mm - m) + st * jnp.exp(mt - m) + jnp.exp(-m)
    all_loss = m + jnp.log(s)

    mp, sp = _lse_cols(yp)
    lp_pos = mp + jnp.log(sp)
    mn = jnp.maximum(jnp.max(-yp, axis=1, keepdims=True), 0.0)
    sn = jnp.sum(jnp.exp(-yp - mn), axis=1, keepdims=True) + jnp.exp(-mn)
    lp_neg = mn + jnp.log(sn)

    aux = jnp.clip(1.0 - jnp.exp(lp_pos - all_loss), EPS, 1.0)
    out_ref[...] = lp_neg + all_loss + jnp.log(aux)


def _loss_block_flat(x_ref, ypos_ref, out_ref):
    lane = lax.broadcasted_iota(jnp.int32, (1, 128), 1)
    yp8 = ypos_ref[...]
    losses = []
    for g in range(2):
        x = x_ref[g]
        for r, (fs, fn, pre, post) in enumerate(ROW_SLABS):
            slab = x[fs:fs + fn, :]
            bnds = []
            m = jnp.max(slab)
            for b in (pre, post):
                if b is not None:
                    vi, lo, hi = b
                    v = x[vi:vi + 1, :]
                    msk = (lane >= lo) & (lane < hi)
                    bnds.append((v, msk))
                    m = jnp.maximum(m, jnp.max(jnp.where(msk, v, -1e30)))
            m = jnp.maximum(m, 0.0)
            s = jnp.sum(jnp.exp(slab - m)) + jnp.exp(-m)
            for v, msk in bnds:
                s = s + jnp.sum(jnp.where(msk, jnp.exp(v - m), 0.0))
            all_loss = m + jnp.log(s)

            yp = yp8[g * 4 + r:g * 4 + r + 1, :]
            mp = jnp.max(yp)
            lp_pos = mp + jnp.log(jnp.sum(jnp.exp(yp - mp)))
            mn = jnp.maximum(jnp.max(-yp), 0.0)
            lp_neg = mn + jnp.log(jnp.sum(jnp.exp(-yp - mn)) + jnp.exp(-mn))

            aux = jnp.clip(1.0 - jnp.exp(lp_pos - all_loss), EPS, 1.0)
            losses.append((lp_neg + all_loss + jnp.log(aux)).reshape(1, 1))
    out_ref[...] = jnp.concatenate(losses, axis=0)


def _tc_loss(y_pred, y_pos):
    return pl.pallas_call(
        _loss_block_flat,
        grid=(N_STEPS,),
        in_specs=[
            pl.BlockSpec((2, VR, 128), lambda i: (i, 0, 0)),
            pl.BlockSpec((RPB, P), lambda i: (i, 0)),
        ],
        out_specs=pl.BlockSpec((RPB, 1), lambda i: (i, 0)),
        out_shape=jax.ShapeDtypeStruct((B, 1), jnp.float32),
        compiler_params=pltpu.CompilerParams(
            dimension_semantics=("parallel",),
        ),
    )(y_pred.reshape(B // 4, VR, 128), y_pos)


def _sc_gather(y_flat, idx3):
    mesh = plsc.VectorSubcoreMesh(core_axis_name="c", subcore_axis_name="s")

    @functools.partial(
        pl.kernel,
        mesh=mesh,
        out_type=jax.ShapeDtypeStruct((B * P,), jnp.float32),
        scratch_types=[
            pltpu.VMEM((N_CHUNK, CHUNK), jnp.int32),
            pltpu.VMEM((PAD_W,), jnp.float32),
            pltpu.SemaphoreType.DMA,
        ],
    )
    def gather_kernel(table_hbm, idx_hbm, out_hbm, idx_v, vals_v, sem):
        wid = lax.axis_index("s") * 2 + lax.axis_index("c")
        pltpu.sync_copy(idx_hbm.at[wid], idx_v)
        copies = []
        for kk in range(N_CHUNK):
            copies.append(
                pltpu.async_copy(
                    table_hbm.at[idx_v.at[kk]],
                    vals_v.at[pl.ds(kk * CHUNK, CHUNK)],
                    sem,
                )
            )
        for cp in copies:
            cp.wait()
        pltpu.sync_copy(
            vals_v.at[pl.ds(0, PER_W)], out_hbm.at[pl.ds(wid * PER_W, PER_W)]
        )

    return gather_kernel(y_flat, idx3)


def kernel(y_pred, y_true):
    yt = y_true.astype(jnp.int32)
    rows = lax.broadcasted_iota(jnp.int32, (B, P), 0)
    flat_idx = (rows * C + yt).reshape(NW, PER_W)
    flat_idx = jnp.pad(flat_idx, ((0, 0), (0, PAD_W - PER_W)))
    idx3 = flat_idx.reshape(NW, N_CHUNK, CHUNK)

    y_pos = _sc_gather(y_pred.reshape(-1), idx3).reshape(B, P)
    loss = _tc_loss(y_pred, y_pos)
    return loss.reshape(B)


del _loss_block

# --- scband reference (transcript-rebuilt; emitter-appended) ---
"""Pipeline reference for scband-sparse-multilabel-categorical-crossentropy-14645838479669 (READ-ONLY COPY).

The authoritative reference and input builder live on the scoring server;
editing this copy changes nothing except your own understanding.
"""

import jax, jax.numpy as jnp
import numpy as np
from jax.scipy.special import logsumexp

B = 1024
NUM_CLASSES = 100000
NUM_POS = 50
EPSILON = 1e-07


def setup_inputs(seed: int = 0) -> dict:
    key = jax.random.key(seed)
    k1, k2 = jax.random.split(key)
    y_pred = jax.random.normal(k1, (B, NUM_CLASSES), dtype=jnp.float32)
    y_true = jax.random.randint(k2, (B, NUM_POS), 0, NUM_CLASSES, dtype=jnp.int64)
    return {"y_pred": y_pred, "y_true": y_true}


def reference(y_pred, y_true):
    # mask_zero = False
    zeros = jnp.zeros_like(y_pred[..., :1])
    y_pred_ext = jnp.concatenate([y_pred, zeros], axis=-1)  # [..., C+1]
    y_pos_2 = jnp.take_along_axis(y_pred_ext, y_true, axis=-1)  # gather positives
    y_pos_1 = jnp.concatenate([y_pos_2, zeros], axis=-1)
    pos_loss = logsumexp(-y_pos_1, axis=-1)
    all_loss = logsumexp(y_pred_ext, axis=-1)
    aux_loss = logsumexp(y_pos_2, axis=-1) - all_loss
    aux_loss = jnp.clip(1.0 - jnp.exp(aux_loss), EPSILON, 1.0)
    neg_loss = all_loss + jnp.log(aux_loss)
    return pos_loss + neg_loss

if __name__ == "__main__":
    import jax
    _d = setup_inputs()
    print(jax.jit(kernel)(*tuple(_d.values())))

</pallas_src>

<mosaic_0001>
#map = affine_map<(d0, d1) -> (0)>
#map1 = affine_map<(d0, d1) -> (0, 0, 0)>
module attributes {stable_mosaic.version = 14 : i64} {
  func.func @gather_kernel(%arg0: i32, %arg1: i32, %arg2: memref<102400000xf32, #tpu.memory_space<hbm>>, %arg3: memref<32x13x128xi32, #tpu.memory_space<hbm>>, %arg4: memref<51200xf32, #tpu.memory_space<hbm>>, %arg5: memref<13x128xi32, #tpu.memory_space<vmem>>, %arg6: memref<1664xf32, #tpu.memory_space<vmem>>, %arg7: memref<!tpu.dma_semaphore, #tpu.memory_space<semaphore_mem>>) attributes {dimension_semantics = [#tpu.dimension_semantics<core_parallel>, #tpu.dimension_semantics<subcore_parallel>], iteration_bounds = array<i64: 2, 16>, scalar_prefetch = 0 : i64, scratch_operands = 3 : i64, tpu.core_type = #tpu.core_type<sc_vector_subcore>, window_params = [{transform_indices = #map}, {transform_indices = #map1}, {transform_indices = #map}]} {
    %mul3A = arith.constant 2 : i32
    %mul3A_0 = arith.muli %arg1, %mul3A : i32
    %add3A = arith.addi %mul3A_0, %arg0 : i32
    "tpu.region"() ({
      %run_scoped3A = tpu.sem_alloc : memref<!tpu.dma_semaphore, #tpu.memory_space<semaphore_mem>>
      %dma_start3A_209 = arith.constant 0 : i32
      %dma_start3A_210 = arith.constant 0 : i32
      %dma_start3A_211 = tpu.memref_slice %arg3[%add3A, %dma_start3A_209, %dma_start3A_210] : memref<32x13x128xi32, #tpu.memory_space<hbm>> -> memref<1x13x128xi32, #tpu.memory_space<hbm>>
      %dma_start3A_212 = tpu.memref_squeeze %dma_start3A_211 : memref<1x13x128xi32, #tpu.memory_space<hbm>> -> memref<13x128xi32, #tpu.memory_space<hbm>>
      %dma_start3A_213 = arith.constant 0 : i32
      %dma_start3A_214 = arith.constant 0 : i32
      %dma_start3A_215 = tpu.memref_slice %arg3[%add3A, %dma_start3A_213, %dma_start3A_214] : memref<32x13x128xi32, #tpu.memory_space<hbm>> -> memref<1x13x128xi32, #tpu.memory_space<hbm>>
      %dma_start3A_216 = tpu.memref_squeeze %dma_start3A_215 : memref<1x13x128xi32, #tpu.memory_space<hbm>> -> memref<13x128xi32, #tpu.memory_space<hbm>>
      tpu.enqueue_dma source(%dma_start3A_216 : memref<13x128xi32, #tpu.memory_space<hbm>>) target(%arg5 : memref<13x128xi32, #tpu.memory_space<vmem>>) target_semaphore(%run_scoped3A : memref<!tpu.dma_semaphore, #tpu.memory_space<semaphore_mem>>)
      %dma_wait3A_217 = arith.constant 0 : i32
      %dma_wait3A_218 = arith.constant 0 : i32
      %dma_wait3A_219 = tpu.memref_slice %arg3[%add3A, %dma_wait3A_217, %dma_wait3A_218] : memref<32x13x128xi32, #tpu.memory_space<hbm>> -> memref<1x13x128xi32, #tpu.memory_space<hbm>>
      %dma_wait3A_220 = tpu.memref_squeeze %dma_wait3A_219 : memref<1x13x128xi32, #tpu.memory_space<hbm>> -> memref<13x128xi32, #tpu.memory_space<hbm>>
      %dma_wait3A_221 = arith.constant 0 : i32
      %dma_wait3A_222 = arith.constant 0 : i32
      %dma_wait3A_223 = tpu.memref_slice %arg3[%add3A, %dma_wait3A_221, %dma_wait3A_222] : memref<32x13x128xi32, #tpu.memory_space<hbm>> -> memref<1x13x128xi32, #tpu.memory_space<hbm>>
      %dma_wait3A_224 = tpu.memref_squeeze %dma_wait3A_223 : memref<1x13x128xi32, #tpu.memory_space<hbm>> -> memref<13x128xi32, #tpu.memory_space<hbm>>
      tpu.wait_dma2 semaphore(%run_scoped3A : memref<!tpu.dma_semaphore, #tpu.memory_space<semaphore_mem>>) src(%dma_wait3A_224 : memref<13x128xi32, #tpu.memory_space<hbm>>) dst(%arg5 : memref<13x128xi32, #tpu.memory_space<vmem>>)
      tpu.yield
    }) : () -> ()
    %dma_start3A = arith.constant 0 : i32
    %dma_start3A_1 = arith.constant 0 : i32
    %dma_start3A_2 = tpu.memref_slice %arg6[%dma_start3A_1] : memref<1664xf32, #tpu.memory_space<vmem>> -> memref<128xf32, #tpu.memory_space<vmem>>
    %dma_start3A_3 = arith.constant 0 : i32
    %dma_start3A_4 = tpu.memref_slice %arg5[%dma_start3A, %dma_start3A_3] : memref<13x128xi32, #tpu.memory_space<vmem>> -> memref<1x128xi32, #tpu.memory_space<vmem>>
    %dma_start3A_5 = tpu.memref_squeeze %dma_start3A_4 : memref<1x128xi32, #tpu.memory_space<vmem>> -> memref<128xi32, #tpu.memory_space<vmem>>
    %dma_start3A_6 = arith.constant 0 : i32
    %dma_start3A_7 = tpu.memref_slice %arg2[%dma_start3A_6] : memref<102400000xf32, #tpu.memory_space<hbm>> -> memref<102400000xf32, #tpu.memory_space<hbm>>
    tpu.enqueue_indirect_dma source(%dma_start3A_7 : memref<102400000xf32, #tpu.memory_space<hbm>>) target(%dma_start3A_2 : memref<128xf32, #tpu.memory_space<vmem>>) offsets(%dma_start3A_5 : memref<128xi32, #tpu.memory_space<vmem>>) semaphore(%arg7 : memref<!tpu.dma_semaphore, #tpu.memory_space<semaphore_mem>>)
    %dma_start3A_8 = arith.constant 1 : i32
    %dma_start3A_9 = arith.constant 128 : i32
    %dma_start3A_10 = tpu.memref_slice %arg6[%dma_start3A_9] : memref<1664xf32, #tpu.memory_space<vmem>> -> memref<128xf32, #tpu.memory_space<vmem>>
    %dma_start3A_11 = arith.constant 0 : i32
    %dma_start3A_12 = tpu.memref_slice %arg5[%dma_start3A_8, %dma_start3A_11] : memref<13x128xi32, #tpu.memory_space<vmem>> -> memref<1x128xi32, #tpu.memory_space<vmem>>
    %dma_start3A_13 = tpu.memref_squeeze %dma_start3A_12 : memref<1x128xi32, #tpu.memory_space<vmem>> -> memref<128xi32, #tpu.memory_space<vmem>>
    %dma_start3A_14 = arith.constant 0 : i32
    %dma_start3A_15 = tpu.memref_slice %arg2[%dma_start3A_14] : memref<102400000xf32, #tpu.memory_space<hbm>> -> memref<102400000xf32, #tpu.memory_space<hbm>>
    tpu.enqueue_indirect_dma source(%dma_start3A_15 : memref<102400000xf32, #tpu.memory_space<hbm>>) target(%dma_start3A_10 : memref<128xf32, #tpu.memory_space<vmem>>) offsets(%dma_start3A_13 : memref<128xi32, #tpu.memory_space<vmem>>) semaphore(%arg7 : memref<!tpu.dma_semaphore, #tpu.memory_space<semaphore_mem>>)
    %dma_start3A_16 = arith.constant 2 : i32
    %dma_start3A_17 = arith.constant 256 : i32
    %dma_start3A_18 = tpu.memref_slice %arg6[%dma_start3A_17] : memref<1664xf32, #tpu.memory_space<vmem>> -> memref<128xf32, #tpu.memory_space<vmem>>
    %dma_start3A_19 = arith.constant 0 : i32
    %dma_start3A_20 = tpu.memref_slice %arg5[%dma_start3A_16, %dma_start3A_19] : memref<13x128xi32, #tpu.memory_space<vmem>> -> memref<1x128xi32, #tpu.memory_space<vmem>>
    %dma_start3A_21 = tpu.memref_squeeze %dma_start3A_20 : memref<1x128xi32, #tpu.memory_space<vmem>> -> memref<128xi32, #tpu.memory_space<vmem>>
    %dma_start3A_22 = arith.constant 0 : i32
    %dma_start3A_23 = tpu.memref_slice %arg2[%dma_start3A_22] : memref<102400000xf32, #tpu.memory_space<hbm>> -> memref<102400000xf32, #tpu.memory_space<hbm>>
    tpu.enqueue_indirect_dma source(%dma_start3A_23 : memref<102400000xf32, #tpu.memory_space<hbm>>) target(%dma_start3A_18 : memref<128xf32, #tpu.memory_space<vmem>>) offsets(%dma_start3A_21 : memref<128xi32, #tpu.memory_space<vmem>>) semaphore(%arg7 : memref<!tpu.dma_semaphore, #tpu.memory_space<semaphore_mem>>)
    %dma_start3A_24 = arith.constant 3 : i32
    %dma_start3A_25 = arith.constant 384 : i32
    %dma_start3A_26 = tpu.memref_slice %arg6[%dma_start3A_25] : memref<1664xf32, #tpu.memory_space<vmem>> -> memref<128xf32, #tpu.memory_space<vmem>>
    %dma_start3A_27 = arith.constant 0 : i32
    %dma_start3A_28 = tpu.memref_slice %arg5[%dma_start3A_24, %dma_start3A_27] : memref<13x128xi32, #tpu.memory_space<vmem>> -> memref<1x128xi32, #tpu.memory_space<vmem>>
    %dma_start3A_29 = tpu.memref_squeeze %dma_start3A_28 : memref<1x128xi32, #tpu.memory_space<vmem>> -> memref<128xi32, #tpu.memory_space<vmem>>
    %dma_start3A_30 = arith.constant 0 : i32
    %dma_start3A_31 = tpu.memref_slice %arg2[%dma_start3A_30] : memref<102400000xf32, #tpu.memory_space<hbm>> -> memref<102400000xf32, #tpu.memory_space<hbm>>
    tpu.enqueue_indirect_dma source(%dma_start3A_31 : memref<102400000xf32, #tpu.memory_space<hbm>>) target(%dma_start3A_26 : memref<128xf32, #tpu.memory_space<vmem>>) offsets(%dma_start3A_29 : memref<128xi32, #tpu.memory_space<vmem>>) semaphore(%arg7 : memref<!tpu.dma_semaphore, #tpu.memory_space<semaphore_mem>>)
    %dma_start3A_32 = arith.constant 4 : i32
    %dma_start3A_33 = arith.constant 512 : i32
    %dma_start3A_34 = tpu.memref_slice %arg6[%dma_start3A_33] : memref<1664xf32, #tpu.memory_space<vmem>> -> memref<128xf32, #tpu.memory_space<vmem>>
    %dma_start3A_35 = arith.constant 0 : i32
    %dma_start3A_36 = tpu.memref_slice %arg5[%dma_start3A_32, %dma_start3A_35] : memref<13x128xi32, #tpu.memory_space<vmem>> -> memref<1x128xi32, #tpu.memory_space<vmem>>
    %dma_start3A_37 = tpu.memref_squeeze %dma_start3A_36 : memref<1x128xi32, #tpu.memory_space<vmem>> -> memref<128xi32, #tpu.memory_space<vmem>>
    %dma_start3A_38 = arith.constant 0 : i32
    %dma_start3A_39 = tpu.memref_slice %arg2[%dma_start3A_38] : memref<102400000xf32, #tpu.memory_space<hbm>> -> memref<102400000xf32, #tpu.memory_space<hbm>>
    tpu.enqueue_indirect_dma source(%dma_start3A_39 : memref<102400000xf32, #tpu.memory_space<hbm>>) target(%dma_start3A_34 : memref<128xf32, #tpu.memory_space<vmem>>) offsets(%dma_start3A_37 : memref<128xi32, #tpu.memory_space<vmem>>) semaphore(%arg7 : memref<!tpu.dma_semaphore, #tpu.memory_space<semaphore_mem>>)
    %dma_start3A_40 = arith.constant 5 : i32
    %dma_start3A_41 = arith.constant 640 : i32
    %dma_start3A_42 = tpu.memref_slice %arg6[%dma_start3A_41] : memref<1664xf32, #tpu.memory_space<vmem>> -> memref<128xf32, #tpu.memory_space<vmem>>
    %dma_start3A_43 = arith.constant 0 : i32
    %dma_start3A_44 = tpu.memref_slice %arg5[%dma_start3A_40, %dma_start3A_43] : memref<13x128xi32, #tpu.memory_space<vmem>> -> memref<1x128xi32, #tpu.memory_space<vmem>>
    %dma_start3A_45 = tpu.memref_squeeze %dma_start3A_44 : memref<1x128xi32, #tpu.memory_space<vmem>> -> memref<128xi32, #tpu.memory_space<vmem>>
    %dma_start3A_46 = arith.constant 0 : i32
    %dma_start3A_47 = tpu.memref_slice %arg2[%dma_start3A_46] : memref<102400000xf32, #tpu.memory_space<hbm>> -> memref<102400000xf32, #tpu.memory_space<hbm>>
    tpu.enqueue_indirect_dma source(%dma_start3A_47 : memref<102400000xf32, #tpu.memory_space<hbm>>) target(%dma_start3A_42 : memref<128xf32, #tpu.memory_space<vmem>>) offsets(%dma_start3A_45 : memref<128xi32, #tpu.memory_space<vmem>>) semaphore(%arg7 : memref<!tpu.dma_semaphore, #tpu.memory_space<semaphore_mem>>)
    %dma_start3A_48 = arith.constant 6 : i32
    %dma_start3A_49 = arith.constant 768 : i32
    %dma_start3A_50 = tpu.memref_slice %arg6[%dma_start3A_49] : memref<1664xf32, #tpu.memory_space<vmem>> -> memref<128xf32, #tpu.memory_space<vmem>>
    %dma_start3A_51 = arith.constant 0 : i32
    %dma_start3A_52 = tpu.memref_slice %arg5[%dma_start3A_48, %dma_start3A_51] : memref<13x128xi32, #tpu.memory_space<vmem>> -> memref<1x128xi32, #tpu.memory_space<vmem>>
    %dma_start3A_53 = tpu.memref_squeeze %dma_start3A_52 : memref<1x128xi32, #tpu.memory_space<vmem>> -> memref<128xi32, #tpu.memory_space<vmem>>
    %dma_start3A_54 = arith.constant 0 : i32
    %dma_start3A_55 = tpu.memref_slice %arg2[%dma_start3A_54] : memref<102400000xf32, #tpu.memory_space<hbm>> -> memref<102400000xf32, #tpu.memory_space<hbm>>
    tpu.enqueue_indirect_dma source(%dma_start3A_55 : memref<102400000xf32, #tpu.memory_space<hbm>>) target(%dma_start3A_50 : memref<128xf32, #tpu.memory_space<vmem>>) offsets(%dma_start3A_53 : memref<128xi32, #tpu.memory_space<vmem>>) semaphore(%arg7 : memref<!tpu.dma_semaphore, #tpu.memory_space<semaphore_mem>>)
    %dma_start3A_56 = arith.constant 7 : i32
    %dma_start3A_57 = arith.constant 896 : i32
    %dma_start3A_58 = tpu.memref_slice %arg6[%dma_start3A_57] : memref<1664xf32, #tpu.memory_space<vmem>> -> memref<128xf32, #tpu.memory_space<vmem>>
    %dma_start3A_59 = arith.constant 0 : i32
    %dma_start3A_60 = tpu.memref_slice %arg5[%dma_start3A_56, %dma_start3A_59] : memref<13x128xi32, #tpu.memory_space<vmem>> -> memref<1x128xi32, #tpu.memory_space<vmem>>
    %dma_start3A_61 = tpu.memref_squeeze %dma_start3A_60 : memref<1x128xi32, #tpu.memory_space<vmem>> -> memref<128xi32, #tpu.memory_space<vmem>>
    %dma_start3A_62 = arith.constant 0 : i32
    %dma_start3A_63 = tpu.memref_slice %arg2[%dma_start3A_62] : memref<102400000xf32, #tpu.memory_space<hbm>> -> memref<102400000xf32, #tpu.memory_space<hbm>>
    tpu.enqueue_indirect_dma source(%dma_start3A_63 : memref<102400000xf32, #tpu.memory_space<hbm>>) target(%dma_start3A_58 : memref<128xf32, #tpu.memory_space<vmem>>) offsets(%dma_start3A_61 : memref<128xi32, #tpu.memory_space<vmem>>) semaphore(%arg7 : memref<!tpu.dma_semaphore, #tpu.memory_space<semaphore_mem>>)
    %dma_start3A_64 = arith.constant 8 : i32
    %dma_start3A_65 = arith.constant 1024 : i32
    %dma_start3A_66 = tpu.memref_slice %arg6[%dma_start3A_65] : memref<1664xf32, #tpu.memory_space<vmem>> -> memref<128xf32, #tpu.memory_space<vmem>>
    %dma_start3A_67 = arith.constant 0 : i32
    %dma_start3A_68 = tpu.memref_slice %arg5[%dma_start3A_64, %dma_start3A_67] : memref<13x128xi32, #tpu.memory_space<vmem>> -> memref<1x128xi32, #tpu.memory_space<vmem>>
    %dma_start3A_69 = tpu.memref_squeeze %dma_start3A_68 : memref<1x128xi32, #tpu.memory_space<vmem>> -> memref<128xi32, #tpu.memory_space<vmem>>
    %dma_start3A_70 = arith.constant 0 : i32
    %dma_start3A_71 = tpu.memref_slice %arg2[%dma_start3A_70] : memref<102400000xf32, #tpu.memory_space<hbm>> -> memref<102400000xf32, #tpu.memory_space<hbm>>
    tpu.enqueue_indirect_dma source(%dma_start3A_71 : memref<102400000xf32, #tpu.memory_space<hbm>>) target(%dma_start3A_66 : memref<128xf32, #tpu.memory_space<vmem>>) offsets(%dma_start3A_69 : memref<128xi32, #tpu.memory_space<vmem>>) semaphore(%arg7 : memref<!tpu.dma_semaphore, #tpu.memory_space<semaphore_mem>>)
    %dma_start3A_72 = arith.constant 9 : i32
    %dma_start3A_73 = arith.constant 1152 : i32
    %dma_start3A_74 = tpu.memref_slice %arg6[%dma_start3A_73] : memref<1664xf32, #tpu.memory_space<vmem>> -> memref<128xf32, #tpu.memory_space<vmem>>
    %dma_start3A_75 = arith.constant 0 : i32
    %dma_start3A_76 = tpu.memref_slice %arg5[%dma_start3A_72, %dma_start3A_75] : memref<13x128xi32, #tpu.memory_space<vmem>> -> memref<1x128xi32, #tpu.memory_space<vmem>>
    %dma_start3A_77 = tpu.memref_squeeze %dma_start3A_76 : memref<1x128xi32, #tpu.memory_space<vmem>> -> memref<128xi32, #tpu.memory_space<vmem>>
    %dma_start3A_78 = arith.constant 0 : i32
    %dma_start3A_79 = tpu.memref_slice %arg2[%dma_start3A_78] : memref<102400000xf32, #tpu.memory_space<hbm>> -> memref<102400000xf32, #tpu.memory_space<hbm>>
    tpu.enqueue_indirect_dma source(%dma_start3A_79 : memref<102400000xf32, #tpu.memory_space<hbm>>) target(%dma_start3A_74 : memref<128xf32, #tpu.memory_space<vmem>>) offsets(%dma_start3A_77 : memref<128xi32, #tpu.memory_space<vmem>>) semaphore(%arg7 : memref<!tpu.dma_semaphore, #tpu.memory_space<semaphore_mem>>)
    %dma_start3A_80 = arith.constant 10 : i32
    %dma_start3A_81 = arith.constant 1280 : i32
    %dma_start3A_82 = tpu.memref_slice %arg6[%dma_start3A_81] : memref<1664xf32, #tpu.memory_space<vmem>> -> memref<128xf32, #tpu.memory_space<vmem>>
    %dma_start3A_83 = arith.constant 0 : i32
    %dma_start3A_84 = tpu.memref_slice %arg5[%dma_start3A_80, %dma_start3A_83] : memref<13x128xi32, #tpu.memory_space<vmem>> -> memref<1x128xi32, #tpu.memory_space<vmem>>
    %dma_start3A_85 = tpu.memref_squeeze %dma_start3A_84 : memref<1x128xi32, #tpu.memory_space<vmem>> -> memref<128xi32, #tpu.memory_space<vmem>>
    %dma_start3A_86 = arith.constant 0 : i32
    %dma_start3A_87 = tpu.memref_slice %arg2[%dma_start3A_86] : memref<102400000xf32, #tpu.memory_space<hbm>> -> memref<102400000xf32, #tpu.memory_space<hbm>>
    tpu.enqueue_indirect_dma source(%dma_start3A_87 : memref<102400000xf32, #tpu.memory_space<hbm>>) target(%dma_start3A_82 : memref<128xf32, #tpu.memory_space<vmem>>) offsets(%dma_start3A_85 : memref<128xi32, #tpu.memory_space<vmem>>) semaphore(%arg7 : memref<!tpu.dma_semaphore, #tpu.memory_space<semaphore_mem>>)
    %dma_start3A_88 = arith.constant 11 : i32
    %dma_start3A_89 = arith.constant 1408 : i32
    %dma_start3A_90 = tpu.memref_slice %arg6[%dma_start3A_89] : memref<1664xf32, #tpu.memory_space<vmem>> -> memref<128xf32, #tpu.memory_space<vmem>>
    %dma_start3A_91 = arith.constant 0 : i32
    %dma_start3A_92 = tpu.memref_slice %arg5[%dma_start3A_88, %dma_start3A_91] : memref<13x128xi32, #tpu.memory_space<vmem>> -> memref<1x128xi32, #tpu.memory_space<vmem>>
    %dma_start3A_93 = tpu.memref_squeeze %dma_start3A_92 : memref<1x128xi32, #tpu.memory_space<vmem>> -> memref<128xi32, #tpu.memory_space<vmem>>
    %dma_start3A_94 = arith.constant 0 : i32
    %dma_start3A_95 = tpu.memref_slice %arg2[%dma_start3A_94] : memref<102400000xf32, #tpu.memory_space<hbm>> -> memref<102400000xf32, #tpu.memory_space<hbm>>
    tpu.enqueue_indirect_dma source(%dma_start3A_95 : memref<102400000xf32, #tpu.memory_space<hbm>>) target(%dma_start3A_90 : memref<128xf32, #tpu.memory_space<vmem>>) offsets(%dma_start3A_93 : memref<128xi32, #tpu.memory_space<vmem>>) semaphore(%arg7 : memref<!tpu.dma_semaphore, #tpu.memory_space<semaphore_mem>>)
    %dma_start3A_96 = arith.constant 12 : i32
    %dma_start3A_97 = arith.constant 1536 : i32
    %dma_start3A_98 = tpu.memref_slice %arg6[%dma_start3A_97] : memref<1664xf32, #tpu.memory_space<vmem>> -> memref<128xf32, #tpu.memory_space<vmem>>
    %dma_start3A_99 = arith.constant 0 : i32
    %dma_start3A_100 = tpu.memref_slice %arg5[%dma_start3A_96, %dma_start3A_99] : memref<13x128xi32, #tpu.memory_space<vmem>> -> memref<1x128xi32, #tpu.memory_space<vmem>>
    %dma_start3A_101 = tpu.memref_squeeze %dma_start3A_100 : memref<1x128xi32, #tpu.memory_space<vmem>> -> memref<128xi32, #tpu.memory_space<vmem>>
    %dma_start3A_102 = arith.constant 0 : i32
    %dma_start3A_103 = tpu.memref_slice %arg2[%dma_start3A_102] : memref<102400000xf32, #tpu.memory_space<hbm>> -> memref<102400000xf32, #tpu.memory_space<hbm>>
    tpu.enqueue_indirect_dma source(%dma_start3A_103 : memref<102400000xf32, #tpu.memory_space<hbm>>) target(%dma_start3A_98 : memref<128xf32, #tpu.memory_space<vmem>>) offsets(%dma_start3A_101 : memref<128xi32, #tpu.memory_space<vmem>>) semaphore(%arg7 : memref<!tpu.dma_semaphore, #tpu.memory_space<semaphore_mem>>)
    %dma_wait3A = arith.constant 0 : i32
    %dma_wait3A_104 = arith.constant 0 : i32
    %dma_wait3A_105 = tpu.memref_slice %arg6[%dma_wait3A_104] : memref<1664xf32, #tpu.memory_space<vmem>> -> memref<128xf32, #tpu.memory_space<vmem>>
    %dma_wait3A_106 = arith.constant 0 : i32
    %dma_wait3A_107 = tpu.memref_slice %arg5[%dma_wait3A, %dma_wait3A_106] : memref<13x128xi32, #tpu.memory_space<vmem>> -> memref<1x128xi32, #tpu.memory_space<vmem>>
    %dma_wait3A_108 = tpu.memref_squeeze %dma_wait3A_107 : memref<1x128xi32, #tpu.memory_space<vmem>> -> memref<128xi32, #tpu.memory_space<vmem>>
    %dma_wait3A_109 = arith.constant 0 : i32
    %dma_wait3A_110 = tpu.memref_slice %arg2[%dma_wait3A_109] : memref<102400000xf32, #tpu.memory_space<hbm>> -> memref<102400000xf32, #tpu.memory_space<hbm>>
    tpu.wait_indirect_dma semaphore(%arg7 : memref<!tpu.dma_semaphore, #tpu.memory_space<semaphore_mem>>) src(%dma_wait3A_110 : memref<102400000xf32, #tpu.memory_space<hbm>>) dst(%dma_wait3A_105 : memref<128xf32, #tpu.memory_space<vmem>>)
    %dma_wait3A_111 = arith.constant 1 : i32
    %dma_wait3A_112 = arith.constant 128 : i32
    %dma_wait3A_113 = tpu.memref_slice %arg6[%dma_wait3A_112] : memref<1664xf32, #tpu.memory_space<vmem>> -> memref<128xf32, #tpu.memory_space<vmem>>
    %dma_wait3A_114 = arith.constant 0 : i32
    %dma_wait3A_115 = tpu.memref_slice %arg5[%dma_wait3A_111, %dma_wait3A_114] : memref<13x128xi32, #tpu.memory_space<vmem>> -> memref<1x128xi32, #tpu.memory_space<vmem>>
    %dma_wait3A_116 = tpu.memref_squeeze %dma_wait3A_115 : memref<1x128xi32, #tpu.memory_space<vmem>> -> memref<128xi32, #tpu.memory_space<vmem>>
    %dma_wait3A_117 = arith.constant 0 : i32
    %dma_wait3A_118 = tpu.memref_slice %arg2[%dma_wait3A_117] : memref<102400000xf32, #tpu.memory_space<hbm>> -> memref<102400000xf32, #tpu.memory_space<hbm>>
    tpu.wait_indirect_dma semaphore(%arg7 : memref<!tpu.dma_semaphore, #tpu.memory_space<semaphore_mem>>) src(%dma_wait3A_118 : memref<102400000xf32, #tpu.memory_space<hbm>>) dst(%dma_wait3A_113 : memref<128xf32, #tpu.memory_space<vmem>>)
    %dma_wait3A_119 = arith.constant 2 : i32
    %dma_wait3A_120 = arith.constant 256 : i32
    %dma_wait3A_121 = tpu.memref_slice %arg6[%dma_wait3A_120] : memref<1664xf32, #tpu.memory_space<vmem>> -> memref<128xf32, #tpu.memory_space<vmem>>
    %dma_wait3A_122 = arith.constant 0 : i32
    %dma_wait3A_123 = tpu.memref_slice %arg5[%dma_wait3A_119, %dma_wait3A_122] : memref<13x128xi32, #tpu.memory_space<vmem>> -> memref<1x128xi32, #tpu.memory_space<vmem>>
    %dma_wait3A_124 = tpu.memref_squeeze %dma_wait3A_123 : memref<1x128xi32, #tpu.memory_space<vmem>> -> memref<128xi32, #tpu.memory_space<vmem>>
    %dma_wait3A_125 = arith.constant 0 : i32
    %dma_wait3A_126 = tpu.memref_slice %arg2[%dma_wait3A_125] : memref<102400000xf32, #tpu.memory_space<hbm>> -> memref<102400000xf32, #tpu.memory_space<hbm>>
    tpu.wait_indirect_dma semaphore(%arg7 : memref<!tpu.dma_semaphore, #tpu.memory_space<semaphore_mem>>) src(%dma_wait3A_126 : memref<102400000xf32, #tpu.memory_space<hbm>>) dst(%dma_wait3A_121 : memref<128xf32, #tpu.memory_space<vmem>>)
    %dma_wait3A_127 = arith.constant 3 : i32
    %dma_wait3A_128 = arith.constant 384 : i32
    %dma_wait3A_129 = tpu.memref_slice %arg6[%dma_wait3A_128] : memref<1664xf32, #tpu.memory_space<vmem>> -> memref<128xf32, #tpu.memory_space<vmem>>
    %dma_wait3A_130 = arith.constant 0 : i32
    %dma_wait3A_131 = tpu.memref_slice %arg5[%dma_wait3A_127, %dma_wait3A_130] : memref<13x128xi32, #tpu.memory_space<vmem>> -> memref<1x128xi32, #tpu.memory_space<vmem>>
    %dma_wait3A_132 = tpu.memref_squeeze %dma_wait3A_131 : memref<1x128xi32, #tpu.memory_space<vmem>> -> memref<128xi32, #tpu.memory_space<vmem>>
    %dma_wait3A_133 = arith.constant 0 : i32
    %dma_wait3A_134 = tpu.memref_slice %arg2[%dma_wait3A_133] : memref<102400000xf32, #tpu.memory_space<hbm>> -> memref<102400000xf32, #tpu.memory_space<hbm>>
    tpu.wait_indirect_dma semaphore(%arg7 : memref<!tpu.dma_semaphore, #tpu.memory_space<semaphore_mem>>) src(%dma_wait3A_134 : memref<102400000xf32, #tpu.memory_space<hbm>>) dst(%dma_wait3A_129 : memref<128xf32, #tpu.memory_space<vmem>>)
    %dma_wait3A_135 = arith.constant 4 : i32
    %dma_wait3A_136 = arith.constant 512 : i32
    %dma_wait3A_137 = tpu.memref_slice %arg6[%dma_wait3A_136] : memref<1664xf32, #tpu.memory_space<vmem>> -> memref<128xf32, #tpu.memory_space<vmem>>
    %dma_wait3A_138 = arith.constant 0 : i32
    %dma_wait3A_139 = tpu.memref_slice %arg5[%dma_wait3A_135, %dma_wait3A_138] : memref<13x128xi32, #tpu.memory_space<vmem>> -> memref<1x128xi32, #tpu.memory_space<vmem>>
    %dma_wait3A_140 = tpu.memref_squeeze %dma_wait3A_139 : memref<1x128xi32, #tpu.memory_space<vmem>> -> memref<128xi32, #tpu.memory_space<vmem>>
    %dma_wait3A_141 = arith.constant 0 : i32
    %dma_wait3A_142 = tpu.memref_slice %arg2[%dma_wait3A_141] : memref<102400000xf32, #tpu.memory_space<hbm>> -> memref<102400000xf32, #tpu.memory_space<hbm>>
    tpu.wait_indirect_dma semaphore(%arg7 : memref<!tpu.dma_semaphore, #tpu.memory_space<semaphore_mem>>) src(%dma_wait3A_142 : memref<102400000xf32, #tpu.memory_space<hbm>>) dst(%dma_wait3A_137 : memref<128xf32, #tpu.memory_space<vmem>>)
    %dma_wait3A_143 = arith.constant 5 : i32
    %dma_wait3A_144 = arith.constant 640 : i32
    %dma_wait3A_145 = tpu.memref_slice %arg6[%dma_wait3A_144] : memref<1664xf32, #tpu.memory_space<vmem>> -> memref<128xf32, #tpu.memory_space<vmem>>
    %dma_wait3A_146 = arith.constant 0 : i32
    %dma_wait3A_147 = tpu.memref_slice %arg5[%dma_wait3A_143, %dma_wait3A_146] : memref<13x128xi32, #tpu.memory_space<vmem>> -> memref<1x128xi32, #tpu.memory_space<vmem>>
    %dma_wait3A_148 = tpu.memref_squeeze %dma_wait3A_147 : memref<1x128xi32, #tpu.memory_space<vmem>> -> memref<128xi32, #tpu.memory_space<vmem>>
    %dma_wait3A_149 = arith.constant 0 : i32
    %dma_wait3A_150 = tpu.memref_slice %arg2[%dma_wait3A_149] : memref<102400000xf32, #tpu.memory_space<hbm>> -> memref<102400000xf32, #tpu.memory_space<hbm>>
    tpu.wait_indirect_dma semaphore(%arg7 : memref<!tpu.dma_semaphore, #tpu.memory_space<semaphore_mem>>) src(%dma_wait3A_150 : memref<102400000xf32, #tpu.memory_space<hbm>>) dst(%dma_wait3A_145 : memref<128xf32, #tpu.memory_space<vmem>>)
    %dma_wait3A_151 = arith.constant 6 : i32
    %dma_wait3A_152 = arith.constant 768 : i32
    %dma_wait3A_153 = tpu.memref_slice %arg6[%dma_wait3A_152] : memref<1664xf32, #tpu.memory_space<vmem>> -> memref<128xf32, #tpu.memory_space<vmem>>
    %dma_wait3A_154 = arith.constant 0 : i32
    %dma_wait3A_155 = tpu.memref_slice %arg5[%dma_wait3A_151, %dma_wait3A_154] : memref<13x128xi32, #tpu.memory_space<vmem>> -> memref<1x128xi32, #tpu.memory_space<vmem>>
    %dma_wait3A_156 = tpu.memref_squeeze %dma_wait3A_155 : memref<1x128xi32, #tpu.memory_space<vmem>> -> memref<128xi32, #tpu.memory_space<vmem>>
    %dma_wait3A_157 = arith.constant 0 : i32
    %dma_wait3A_158 = tpu.memref_slice %arg2[%dma_wait3A_157] : memref<102400000xf32, #tpu.memory_space<hbm>> -> memref<102400000xf32, #tpu.memory_space<hbm>>
    tpu.wait_indirect_dma semaphore(%arg7 : memref<!tpu.dma_semaphore, #tpu.memory_space<semaphore_mem>>) src(%dma_wait3A_158 : memref<102400000xf32, #tpu.memory_space<hbm>>) dst(%dma_wait3A_153 : memref<128xf32, #tpu.memory_space<vmem>>)
    %dma_wait3A_159 = arith.constant 7 : i32
    %dma_wait3A_160 = arith.constant 896 : i32
    %dma_wait3A_161 = tpu.memref_slice %arg6[%dma_wait3A_160] : memref<1664xf32, #tpu.memory_space<vmem>> -> memref<128xf32, #tpu.memory_space<vmem>>
    %dma_wait3A_162 = arith.constant 0 : i32
    %dma_wait3A_163 = tpu.memref_slice %arg5[%dma_wait3A_159, %dma_wait3A_162] : memref<13x128xi32, #tpu.memory_space<vmem>> -> memref<1x128xi32, #tpu.memory_space<vmem>>
    %dma_wait3A_164 = tpu.memref_squeeze %dma_wait3A_163 : memref<1x128xi32, #tpu.memory_space<vmem>> -> memref<128xi32, #tpu.memory_space<vmem>>
    %dma_wait3A_165 = arith.constant 0 : i32
    %dma_wait3A_166 = tpu.memref_slice %arg2[%dma_wait3A_165] : memref<102400000xf32, #tpu.memory_space<hbm>> -> memref<102400000xf32, #tpu.memory_space<hbm>>
    tpu.wait_indirect_dma semaphore(%arg7 : memref<!tpu.dma_semaphore, #tpu.memory_space<semaphore_mem>>) src(%dma_wait3A_166 : memref<102400000xf32, #tpu.memory_space<hbm>>) dst(%dma_wait3A_161 : memref<128xf32, #tpu.memory_space<vmem>>)
    %dma_wait3A_167 = arith.constant 8 : i32
    %dma_wait3A_168 = arith.constant 1024 : i32
    %dma_wait3A_169 = tpu.memref_slice %arg6[%dma_wait3A_168] : memref<1664xf32, #tpu.memory_space<vmem>> -> memref<128xf32, #tpu.memory_space<vmem>>
    %dma_wait3A_170 = arith.constant 0 : i32
    %dma_wait3A_171 = tpu.memref_slice %arg5[%dma_wait3A_167, %dma_wait3A_170] : memref<13x128xi32, #tpu.memory_space<vmem>> -> memref<1x128xi32, #tpu.memory_space<vmem>>
    %dma_wait3A_172 = tpu.memref_squeeze %dma_wait3A_171 : memref<1x128xi32, #tpu.memory_space<vmem>> -> memref<128xi32, #tpu.memory_space<vmem>>
    %dma_wait3A_173 = arith.constant 0 : i32
    %dma_wait3A_174 = tpu.memref_slice %arg2[%dma_wait3A_173] : memref<102400000xf32, #tpu.memory_space<hbm>> -> memref<102400000xf32, #tpu.memory_space<hbm>>
    tpu.wait_indirect_dma semaphore(%arg7 : memref<!tpu.dma_semaphore, #tpu.memory_space<semaphore_mem>>) src(%dma_wait3A_174 : memref<102400000xf32, #tpu.memory_space<hbm>>) dst(%dma_wait3A_169 : memref<128xf32, #tpu.memory_space<vmem>>)
    %dma_wait3A_175 = arith.constant 9 : i32
    %dma_wait3A_176 = arith.constant 1152 : i32
    %dma_wait3A_177 = tpu.memref_slice %arg6[%dma_wait3A_176] : memref<1664xf32, #tpu.memory_space<vmem>> -> memref<128xf32, #tpu.memory_space<vmem>>
    %dma_wait3A_178 = arith.constant 0 : i32
    %dma_wait3A_179 = tpu.memref_slice %arg5[%dma_wait3A_175, %dma_wait3A_178] : memref<13x128xi32, #tpu.memory_space<vmem>> -> memref<1x128xi32, #tpu.memory_space<vmem>>
    %dma_wait3A_180 = tpu.memref_squeeze %dma_wait3A_179 : memref<1x128xi32, #tpu.memory_space<vmem>> -> memref<128xi32, #tpu.memory_space<vmem>>
    %dma_wait3A_181 = arith.constant 0 : i32
    %dma_wait3A_182 = tpu.memref_slice %arg2[%dma_wait3A_181] : memref<102400000xf32, #tpu.memory_space<hbm>> -> memref<102400000xf32, #tpu.memory_space<hbm>>
    tpu.wait_indirect_dma semaphore(%arg7 : memref<!tpu.dma_semaphore, #tpu.memory_space<semaphore_mem>>) src(%dma_wait3A_182 : memref<102400000xf32, #tpu.memory_space<hbm>>) dst(%dma_wait3A_177 : memref<128xf32, #tpu.memory_space<vmem>>)
    %dma_wait3A_183 = arith.constant 10 : i32
    %dma_wait3A_184 = arith.constant 1280 : i32
    %dma_wait3A_185 = tpu.memref_slice %arg6[%dma_wait3A_184] : memref<1664xf32, #tpu.memory_space<vmem>> -> memref<128xf32, #tpu.memory_space<vmem>>
    %dma_wait3A_186 = arith.constant 0 : i32
    %dma_wait3A_187 = tpu.memref_slice %arg5[%dma_wait3A_183, %dma_wait3A_186] : memref<13x128xi32, #tpu.memory_space<vmem>> -> memref<1x128xi32, #tpu.memory_space<vmem>>
    %dma_wait3A_188 = tpu.memref_squeeze %dma_wait3A_187 : memref<1x128xi32, #tpu.memory_space<vmem>> -> memref<128xi32, #tpu.memory_space<vmem>>
    %dma_wait3A_189 = arith.constant 0 : i32
    %dma_wait3A_190 = tpu.memref_slice %arg2[%dma_wait3A_189] : memref<102400000xf32, #tpu.memory_space<hbm>> -> memref<102400000xf32, #tpu.memory_space<hbm>>
    tpu.wait_indirect_dma semaphore(%arg7 : memref<!tpu.dma_semaphore, #tpu.memory_space<semaphore_mem>>) src(%dma_wait3A_190 : memref<102400000xf32, #tpu.memory_space<hbm>>) dst(%dma_wait3A_185 : memref<128xf32, #tpu.memory_space<vmem>>)
    %dma_wait3A_191 = arith.constant 11 : i32
    %dma_wait3A_192 = arith.constant 1408 : i32
    %dma_wait3A_193 = tpu.memref_slice %arg6[%dma_wait3A_192] : memref<1664xf32, #tpu.memory_space<vmem>> -> memref<128xf32, #tpu.memory_space<vmem>>
    %dma_wait3A_194 = arith.constant 0 : i32
    %dma_wait3A_195 = tpu.memref_slice %arg5[%dma_wait3A_191, %dma_wait3A_194] : memref<13x128xi32, #tpu.memory_space<vmem>> -> memref<1x128xi32, #tpu.memory_space<vmem>>
    %dma_wait3A_196 = tpu.memref_squeeze %dma_wait3A_195 : memref<1x128xi32, #tpu.memory_space<vmem>> -> memref<128xi32, #tpu.memory_space<vmem>>
    %dma_wait3A_197 = arith.constant 0 : i32
    %dma_wait3A_198 = tpu.memref_slice %arg2[%dma_wait3A_197] : memref<102400000xf32, #tpu.memory_space<hbm>> -> memref<102400000xf32, #tpu.memory_space<hbm>>
    tpu.wait_indirect_dma semaphore(%arg7 : memref<!tpu.dma_semaphore, #tpu.memory_space<semaphore_mem>>) src(%dma_wait3A_198 : memref<102400000xf32, #tpu.memory_space<hbm>>) dst(%dma_wait3A_193 : memref<128xf32, #tpu.memory_space<vmem>>)
    %dma_wait3A_199 = arith.constant 12 : i32
    %dma_wait3A_200 = arith.constant 1536 : i32
    %dma_wait3A_201 = tpu.memref_slice %arg6[%dma_wait3A_200] : memref<1664xf32, #tpu.memory_space<vmem>> -> memref<128xf32, #tpu.memory_space<vmem>>
    %dma_wait3A_202 = arith.constant 0 : i32
    %dma_wait3A_203 = tpu.memref_slice %arg5[%dma_wait3A_199, %dma_wait3A_202] : memref<13x128xi32, #tpu.memory_space<vmem>> -> memref<1x128xi32, #tpu.memory_space<vmem>>
    %dma_wait3A_204 = tpu.memref_squeeze %dma_wait3A_203 : memref<1x128xi32, #tpu.memory_space<vmem>> -> memref<128xi32, #tpu.memory_space<vmem>>
    %dma_wait3A_205 = arith.constant 0 : i32
    %dma_wait3A_206 = tpu.memref_slice %arg2[%dma_wait3A_205] : memref<102400000xf32, #tpu.memory_space<hbm>> -> memref<102400000xf32, #tpu.memory_space<hbm>>
    tpu.wait_indirect_dma semaphore(%arg7 : memref<!tpu.dma_semaphore, #tpu.memory_space<semaphore_mem>>) src(%dma_wait3A_206 : memref<102400000xf32, #tpu.memory_space<hbm>>) dst(%dma_wait3A_201 : memref<128xf32, #tpu.memory_space<vmem>>)
    %mul3A_207 = arith.constant 1600 : i32
    %mul3A_208 = arith.muli %add3A, %mul3A_207 : i32
    "tpu.region"() ({
      %run_scoped3A = tpu.sem_alloc : memref<!tpu.dma_semaphore, #tpu.memory_space<semaphore_mem>>
      %dma_start3A_209 = arith.constant 0 : i32
      %dma_start3A_210 = tpu.memref_slice %arg6[%dma_start3A_209] : memref<1664xf32, #tpu.memory_space<vmem>> -> memref<1600xf32, #tpu.memory_space<vmem>>
      %dma_start3A_211 = tpu.memref_slice %arg4[%mul3A_208] : memref<51200xf32, #tpu.memory_space<hbm>> -> memref<1600xf32, #tpu.memory_space<hbm>>
      %dma_start3A_212 = tpu.memref_slice %arg4[%mul3A_208] : memref<51200xf32, #tpu.memory_space<hbm>> -> memref<1600xf32, #tpu.memory_space<hbm>>
      %dma_start3A_213 = arith.constant 0 : i32
      %dma_start3A_214 = tpu.memref_slice %arg6[%dma_start3A_213] : memref<1664xf32, #tpu.memory_space<vmem>> -> memref<1600xf32, #tpu.memory_space<vmem>>
      tpu.enqueue_dma source(%dma_start3A_214 : memref<1600xf32, #tpu.memory_space<vmem>>) target(%dma_start3A_212 : memref<1600xf32, #tpu.memory_space<hbm>>) target_semaphore(%run_scoped3A : memref<!tpu.dma_semaphore, #tpu.memory_space<semaphore_mem>>)
      %dma_wait3A_215 = arith.constant 0 : i32
      %dma_wait3A_216 = tpu.memref_slice %arg6[%dma_wait3A_215] : memref<1664xf32, #tpu.memory_space<vmem>> -> memref<1600xf32, #tpu.memory_space<vmem>>
      %dma_wait3A_217 = tpu.memref_slice %arg4[%mul3A_208] : memref<51200xf32, #tpu.memory_space<hbm>> -> memref<1600xf32, #tpu.memory_space<hbm>>
      %dma_wait3A_218 = tpu.memref_slice %arg4[%mul3A_208] : memref<51200xf32, #tpu.memory_space<hbm>> -> memref<1600xf32, #tpu.memory_space<hbm>>
      %dma_wait3A_219 = arith.constant 0 : i32
      %dma_wait3A_220 = tpu.memref_slice %arg6[%dma_wait3A_219] : memref<1664xf32, #tpu.memory_space<vmem>> -> memref<1600xf32, #tpu.memory_space<vmem>>
      tpu.wait_dma2 semaphore(%run_scoped3A : memref<!tpu.dma_semaphore, #tpu.memory_space<semaphore_mem>>) src(%dma_wait3A_220 : memref<1600xf32, #tpu.memory_space<vmem>>) dst(%dma_wait3A_218 : memref<1600xf32, #tpu.memory_space<hbm>>)
      tpu.yield
    }) : () -> ()
    return
  }
}

module attributes {stable_mosaic.version = 14 : i64} {
  func.func @_loss_block_flat(%arg0: i32, %arg1: memref<2x3125x128xf32, #tpu.memory_space<vmem>>, %arg2: memref<8x50xf32, #tpu.memory_space<vmem>>, %arg3: memref<8x1xf32, #tpu.memory_space<vmem>>) attributes {dimension_semantics = [#tpu.dimension_semantics<parallel>], iteration_bounds = array<i64: 128>, scalar_prefetch = 0 : i64, scratch_operands = 0 : i64, tpu.core_type = #tpu.core_type<tc>, window_params = [{transform_indices = @transform_0, window_bounds = array<i64: 2, 3125, 128>}, {transform_indices = @transform_1, window_bounds = array<i64: 8, 50>}, {transform_indices = @transform_2, window_bounds = array<i64: 8, 1>}]} {
    %iota3A = tpu.iota {dimensions = array<i32: 1>} : vector<1x128xi32>
    %get3A = arith.constant 0 : index
    %get3A_0 = arith.constant 0 : index
    %get3A_1 = vector.load %arg2[%get3A, %get3A_0] : memref<8x50xf32, #tpu.memory_space<vmem>>, vector<8x50xf32>
    %get3A_2 = arith.constant 0 : index
    %get3A_3 = arith.constant 0 : index
    %get3A_4 = arith.constant 0 : index
    %get3A_5 = vector.load %arg1[%get3A_2, %get3A_3, %get3A_4] : memref<2x3125x128xf32, #tpu.memory_space<vmem>>, vector<1x3125x128xf32>
    %get3A_6 = vector.shape_cast %get3A_5 : vector<1x3125x128xf32> to vector<3125x128xf32>
    %slice3A = vector.extract_strided_slice %get3A_6 {offsets = [0, 0], sizes = [781, 128], strides = [1, 1]} : vector<3125x128xf32> to vector<781x128xf32>
    %reduce_max3A = vector.shape_cast %slice3A : vector<781x128xf32> to vector<1x781x128xf32>
    %reduce_max3A_7 = arith.constant dense<0xFF800000> : vector<1xf32>
    %reduce_max3A_8 = vector.multi_reduction <maximumf>, %reduce_max3A, %reduce_max3A_7 [1, 2] : vector<1x781x128xf32> to vector<1xf32>
    %reduce_max3A_9 = vector.shape_cast %reduce_max3A_8 : vector<1xf32> to vector<1x1x1xf32>
    %reduce_max3A_10 = vector.extract %reduce_max3A_9[0, 0, 0] : f32 from vector<1x1x1xf32>
    %slice3A_11 = vector.extract_strided_slice %get3A_6 {offsets = [781, 0], sizes = [1, 128], strides = [1, 1]} : vector<3125x128xf32> to vector<1x128xf32>
    %ge3A = arith.constant 0 : i32
    %ge3A_12 = vector.broadcast %ge3A : i32 to vector<1x128xi32>
    %ge3A_13 = arith.cmpi sge, %iota3A, %ge3A_12 : vector<1x128xi32>
    %lt3A = arith.constant 32 : i32
    %lt3A_14 = vector.broadcast %lt3A : i32 to vector<1x128xi32>
    %lt3A_15 = arith.cmpi slt, %iota3A, %lt3A_14 : vector<1x128xi32>
    %and3A = arith.andi %ge3A_13, %lt3A_15 : vector<1x128xi1>
    %jit3A = arith.constant -1.000000e+30 : f32
    %broadcast_in_dim3A = vector.broadcast %jit3A : f32 to vector<1x128xf32>
    %select_n3A = arith.select %and3A, %slice3A_11, %broadcast_in_dim3A : vector<1x128xi1>, vector<1x128xf32>
    %reduce_max3A_16 = vector.shape_cast %select_n3A : vector<1x128xf32> to vector<1x1x128xf32>
    %reduce_max3A_17 = arith.constant dense<0xFF800000> : vector<1xf32>
    %reduce_max3A_18 = vector.multi_reduction <maximumf>, %reduce_max3A_16, %reduce_max3A_17 [1, 2] : vector<1x1x128xf32> to vector<1xf32>
    %reduce_max3A_19 = vector.shape_cast %reduce_max3A_18 : vector<1xf32> to vector<1x1x1xf32>
    %reduce_max3A_20 = vector.extract %reduce_max3A_19[0, 0, 0] : f32 from vector<1x1x1xf32>
    %max3A = arith.maximumf %reduce_max3A_10, %reduce_max3A_20 : f32
    %max3A_21 = arith.constant 0.000000e+00 : f32
    %max3A_22 = arith.maximumf %max3A, %max3A_21 : f32
    %sub3A = vector.broadcast %max3A_22 : f32 to vector<781x128xf32>
    %sub3A_23 = arith.subf %slice3A, %sub3A : vector<781x128xf32>
    %exp3A = math.exp %sub3A_23 : vector<781x128xf32>
    %reduce_sum3A = vector.shape_cast %exp3A : vector<781x128xf32> to vector<1x781x128xf32>
    %reduce_sum3A_24 = arith.constant dense<0.000000e+00> : vector<1xf32>
    %reduce_sum3A_25 = vector.multi_reduction <add>, %reduce_sum3A, %reduce_sum3A_24 [1, 2] : vector<1x781x128xf32> to vector<1xf32>
    %reduce_sum3A_26 = vector.shape_cast %reduce_sum3A_25 : vector<1xf32> to vector<1x1x1xf32>
    %reduce_sum3A_27 = vector.extract %reduce_sum3A_26[0, 0, 0] : f32 from vector<1x1x1xf32>
    %neg3A = arith.constant 0.000000e+00 : f32
    %neg3A_28 = arith.subf %neg3A, %max3A_22 : f32
    %exp3A_29 = math.exp %neg3A_28 : f32
    %add3A = arith.addf %reduce_sum3A_27, %exp3A_29 : f32
    %sub3A_30 = vector.broadcast %max3A_22 : f32 to vector<1x128xf32>
    %sub3A_31 = arith.subf %slice3A_11, %sub3A_30 : vector<1x128xf32>
    %exp3A_32 = math.exp %sub3A_31 : vector<1x128xf32>
    %jit3A_33 = arith.constant 0.000000e+00 : f32
    %broadcast_in_dim3A_34 = vector.broadcast %jit3A_33 : f32 to vector<1x128xf32>
    %select_n3A_35 = arith.select %and3A, %exp3A_32, %broadcast_in_dim3A_34 : vector<1x128xi1>, vector<1x128xf32>
    %reduce_sum3A_36 = vector.shape_cast %select_n3A_35 : vector<1x128xf32> to vector<1x1x128xf32>
    %reduce_sum3A_37 = arith.constant dense<0.000000e+00> : vector<1xf32>
    %reduce_sum3A_38 = vector.multi_reduction <add>, %reduce_sum3A_36, %reduce_sum3A_37 [1, 2] : vector<1x1x128xf32> to vector<1xf32>
    %reduce_sum3A_39 = vector.shape_cast %reduce_sum3A_38 : vector<1xf32> to vector<1x1x1xf32>
    %reduce_sum3A_40 = vector.extract %reduce_sum3A_39[0, 0, 0] : f32 from vector<1x1x1xf32>
    %add3A_41 = arith.addf %add3A, %reduce_sum3A_40 : f32
    %log3A = math.log %add3A_41 : f32
    %add3A_42 = arith.addf %max3A_22, %log3A : f32
    %slice3A_43 = vector.extract_strided_slice %get3A_1 {offsets = [0, 0], sizes = [1, 50], strides = [1, 1]} : vector<8x50xf32> to vector<1x50xf32>
    %reduce_max3A_44 = vector.shape_cast %slice3A_43 : vector<1x50xf32> to vector<1x1x50xf32>
    %reduce_max3A_45 = arith.constant dense<0xFF800000> : vector<1xf32>
    %reduce_max3A_46 = vector.multi_reduction <maximumf>, %reduce_max3A_44, %reduce_max3A_45 [1, 2] : vector<1x1x50xf32> to vector<1xf32>
    %reduce_max3A_47 = vector.shape_cast %reduce_max3A_46 : vector<1xf32> to vector<1x1x1xf32>
    %reduce_max3A_48 = vector.extract %reduce_max3A_47[0, 0, 0] : f32 from vector<1x1x1xf32>
    %sub3A_49 = vector.broadcast %reduce_max3A_48 : f32 to vector<1x50xf32>
    %sub3A_50 = arith.subf %slice3A_43, %sub3A_49 : vector<1x50xf32>
    %exp3A_51 = math.exp %sub3A_50 : vector<1x50xf32>
    %reduce_sum3A_52 = vector.shape_cast %exp3A_51 : vector<1x50xf32> to vector<1x1x50xf32>
    %reduce_sum3A_53 = arith.constant dense<0.000000e+00> : vector<1xf32>
    %reduce_sum3A_54 = vector.multi_reduction <add>, %reduce_sum3A_52, %reduce_sum3A_53 [1, 2] : vector<1x1x50xf32> to vector<1xf32>
    %reduce_sum3A_55 = vector.shape_cast %reduce_sum3A_54 : vector<1xf32> to vector<1x1x1xf32>
    %reduce_sum3A_56 = vector.extract %reduce_sum3A_55[0, 0, 0] : f32 from vector<1x1x1xf32>
    %log3A_57 = math.log %reduce_sum3A_56 : f32
    %add3A_58 = arith.addf %reduce_max3A_48, %log3A_57 : f32
    %neg3A_59 = arith.constant 0.000000e+00 : f32
    %neg3A_60 = vector.broadcast %neg3A_59 : f32 to vector<1x50xf32>
    %neg3A_61 = arith.subf %neg3A_60, %slice3A_43 : vector<1x50xf32>
    %reduce_max3A_62 = vector.shape_cast %neg3A_61 : vector<1x50xf32> to vector<1x1x50xf32>
    %reduce_max3A_63 = arith.constant dense<0xFF800000> : vector<1xf32>
    %reduce_max3A_64 = vector.multi_reduction <maximumf>, %reduce_max3A_62, %reduce_max3A_63 [1, 2] : vector<1x1x50xf32> to vector<1xf32>
    %reduce_max3A_65 = vector.shape_cast %reduce_max3A_64 : vector<1xf32> to vector<1x1x1xf32>
    %reduce_max3A_66 = vector.extract %reduce_max3A_65[0, 0, 0] : f32 from vector<1x1x1xf32>
    %max3A_67 = arith.constant 0.000000e+00 : f32
    %max3A_68 = arith.maximumf %reduce_max3A_66, %max3A_67 : f32
    %neg3A_69 = arith.constant 0.000000e+00 : f32
    %neg3A_70 = vector.broadcast %neg3A_69 : f32 to vector<1x50xf32>
    %neg3A_71 = arith.subf %neg3A_70, %slice3A_43 : vector<1x50xf32>
    %sub3A_72 = vector.broadcast %max3A_68 : f32 to vector<1x50xf32>
    %sub3A_73 = arith.subf %neg3A_71, %sub3A_72 : vector<1x50xf32>
    %exp3A_74 = math.exp %sub3A_73 : vector<1x50xf32>
    %reduce_sum3A_75 = vector.shape_cast %exp3A_74 : vector<1x50xf32> to vector<1x1x50xf32>
    %reduce_sum3A_76 = arith.constant dense<0.000000e+00> : vector<1xf32>
    %reduce_sum3A_77 = vector.multi_reduction <add>, %reduce_sum3A_75, %reduce_sum3A_76 [1, 2] : vector<1x1x50xf32> to vector<1xf32>
    %reduce_sum3A_78 = vector.shape_cast %reduce_sum3A_77 : vector<1xf32> to vector<1x1x1xf32>
    %reduce_sum3A_79 = vector.extract %reduce_sum3A_78[0, 0, 0] : f32 from vector<1x1x1xf32>
    %neg3A_80 = arith.constant 0.000000e+00 : f32
    %neg3A_81 = arith.subf %neg3A_80, %max3A_68 : f32
    %exp3A_82 = math.exp %neg3A_81 : f32
    %add3A_83 = arith.addf %reduce_sum3A_79, %exp3A_82 : f32
    %log3A_84 = math.log %add3A_83 : f32
    %add3A_85 = arith.addf %max3A_68, %log3A_84 : f32
    %sub3A_86 = arith.subf %add3A_58, %add3A_42 : f32
    %exp3A_87 = math.exp %sub3A_86 : f32
    %sub3A_88 = arith.constant 1.000000e+00 : f32
    %sub3A_89 = arith.subf %sub3A_88, %exp3A_87 : f32
    %jit3A_90 = arith.constant 1.000000e-07 : f32
    %jit3A_91 = arith.constant 1.000000e+00 : f32
    %max3A_92 = arith.maximumf %jit3A_90, %sub3A_89 : f32
    %min3A = arith.minimumf %jit3A_91, %max3A_92 : f32
    %add3A_93 = arith.addf %add3A_85, %add3A_42 : f32
    %log3A_94 = math.log %min3A : f32
    %add3A_95 = arith.addf %add3A_93, %log3A_94 : f32
    %reshape3A = vector.broadcast %add3A_95 : f32 to vector<1x1xf32>
    %slice3A_96 = vector.extract_strided_slice %get3A_6 {offsets = [782, 0], sizes = [780, 128], strides = [1, 1]} : vector<3125x128xf32> to vector<780x128xf32>
    %reduce_max3A_97 = vector.shape_cast %slice3A_96 : vector<780x128xf32> to vector<1x780x128xf32>
    %reduce_max3A_98 = arith.constant dense<0xFF800000> : vector<1xf32>
    %reduce_max3A_99 = vector.multi_reduction <maximumf>, %reduce_max3A_97, %reduce_max3A_98 [1, 2] : vector<1x780x128xf32> to vector<1xf32>
    %reduce_max3A_100 = vector.shape_cast %reduce_max3A_99 : vector<1xf32> to vector<1x1x1xf32>
    %reduce_max3A_101 = vector.extract %reduce_max3A_100[0, 0, 0] : f32 from vector<1x1x1xf32>
    %slice3A_102 = vector.extract_strided_slice %get3A_6 {offsets = [781, 0], sizes = [1, 128], strides = [1, 1]} : vector<3125x128xf32> to vector<1x128xf32>
    %ge3A_103 = arith.constant 32 : i32
    %ge3A_104 = vector.broadcast %ge3A_103 : i32 to vector<1x128xi32>
    %ge3A_105 = arith.cmpi sge, %iota3A, %ge3A_104 : vector<1x128xi32>
    %lt3A_106 = arith.constant 128 : i32
    %lt3A_107 = vector.broadcast %lt3A_106 : i32 to vector<1x128xi32>
    %lt3A_108 = arith.cmpi slt, %iota3A, %lt3A_107 : vector<1x128xi32>
    %and3A_109 = arith.andi %ge3A_105, %lt3A_108 : vector<1x128xi1>
    %jit3A_110 = arith.constant -1.000000e+30 : f32
    %broadcast_in_dim3A_111 = vector.broadcast %jit3A_110 : f32 to vector<1x128xf32>
    %select_n3A_112 = arith.select %and3A_109, %slice3A_102, %broadcast_in_dim3A_111 : vector<1x128xi1>, vector<1x128xf32>
    %reduce_max3A_113 = vector.shape_cast %select_n3A_112 : vector<1x128xf32> to vector<1x1x128xf32>
    %reduce_max3A_114 = arith.constant dense<0xFF800000> : vector<1xf32>
    %reduce_max3A_115 = vector.multi_reduction <maximumf>, %reduce_max3A_113, %reduce_max3A_114 [1, 2] : vector<1x1x128xf32> to vector<1xf32>
    %reduce_max3A_116 = vector.shape_cast %reduce_max3A_115 : vector<1xf32> to vector<1x1x1xf32>
    %reduce_max3A_117 = vector.extract %reduce_max3A_116[0, 0, 0] : f32 from vector<1x1x1xf32>
    %max3A_118 = arith.maximumf %reduce_max3A_101, %reduce_max3A_117 : f32
    %slice3A_119 = vector.extract_strided_slice %get3A_6 {offsets = [1562, 0], sizes = [1, 128], strides = [1, 1]} : vector<3125x128xf32> to vector<1x128xf32>
    %ge3A_120 = arith.constant 0 : i32
    %ge3A_121 = vector.broadcast %ge3A_120 : i32 to vector<1x128xi32>
    %ge3A_122 = arith.cmpi sge, %iota3A, %ge3A_121 : vector<1x128xi32>
    %lt3A_123 = arith.constant 64 : i32
    %lt3A_124 = vector.broadcast %lt3A_123 : i32 to vector<1x128xi32>
    %lt3A_125 = arith.cmpi slt, %iota3A, %lt3A_124 : vector<1x128xi32>
    %and3A_126 = arith.andi %ge3A_122, %lt3A_125 : vector<1x128xi1>
    %jit3A_127 = arith.constant -1.000000e+30 : f32
    %broadcast_in_dim3A_128 = vector.broadcast %jit3A_127 : f32 to vector<1x128xf32>
    %select_n3A_129 = arith.select %and3A_126, %slice3A_119, %broadcast_in_dim3A_128 : vector<1x128xi1>, vector<1x128xf32>
    %reduce_max3A_130 = vector.shape_cast %select_n3A_129 : vector<1x128xf32> to vector<1x1x128xf32>
    %reduce_max3A_131 = arith.constant dense<0xFF800000> : vector<1xf32>
    %reduce_max3A_132 = vector.multi_reduction <maximumf>, %reduce_max3A_130, %reduce_max3A_131 [1, 2] : vector<1x1x128xf32> to vector<1xf32>
    %reduce_max3A_133 = vector.shape_cast %reduce_max3A_132 : vector<1xf32> to vector<1x1x1xf32>
    %reduce_max3A_134 = vector.extract %reduce_max3A_133[0, 0, 0] : f32 from vector<1x1x1xf32>
    %max3A_135 = arith.maximumf %max3A_118, %reduce_max3A_134 : f32
    %max3A_136 = arith.constant 0.000000e+00 : f32
    %max3A_137 = arith.maximumf %max3A_135, %max3A_136 : f32
    %sub3A_138 = vector.broadcast %max3A_137 : f32 to vector<780x128xf32>
    %sub3A_139 = arith.subf %slice3A_96, %sub3A_138 : vector<780x128xf32>
    %exp3A_140 = math.exp %sub3A_139 : vector<780x128xf32>
    %reduce_sum3A_141 = vector.shape_cast %exp3A_140 : vector<780x128xf32> to vector<1x780x128xf32>
    %reduce_sum3A_142 = arith.constant dense<0.000000e+00> : vector<1xf32>
    %reduce_sum3A_143 = vector.multi_reduction <add>, %reduce_sum3A_141, %reduce_sum3A_142 [1, 2] : vector<1x780x128xf32> to vector<1xf32>
    %reduce_sum3A_144 = vector.shape_cast %reduce_sum3A_143 : vector<1xf32> to vector<1x1x1xf32>
    %reduce_sum3A_145 = vector.extract %reduce_sum3A_144[0, 0, 0] : f32 from vector<1x1x1xf32>
    %neg3A_146 = arith.constant 0.000000e+00 : f32
    %neg3A_147 = arith.subf %neg3A_146, %max3A_137 : f32
    %exp3A_148 = math.exp %neg3A_147 : f32
    %add3A_149 = arith.addf %reduce_sum3A_145, %exp3A_148 : f32
    %sub3A_150 = vector.broadcast %max3A_137 : f32 to vector<1x128xf32>
    %sub3A_151 = arith.subf %slice3A_102, %sub3A_150 : vector<1x128xf32>
    %exp3A_152 = math.exp %sub3A_151 : vector<1x128xf32>
    %jit3A_153 = arith.constant 0.000000e+00 : f32
    %broadcast_in_dim3A_154 = vector.broadcast %jit3A_153 : f32 to vector<1x128xf32>
    %select_n3A_155 = arith.select %and3A_109, %exp3A_152, %broadcast_in_dim3A_154 : vector<1x128xi1>, vector<1x128xf32>
    %reduce_sum3A_156 = vector.shape_cast %select_n3A_155 : vector<1x128xf32> to vector<1x1x128xf32>
    %reduce_sum3A_157 = arith.constant dense<0.000000e+00> : vector<1xf32>
    %reduce_sum3A_158 = vector.multi_reduction <add>, %reduce_sum3A_156, %reduce_sum3A_157 [1, 2] : vector<1x1x128xf32> to vector<1xf32>
    %reduce_sum3A_159 = vector.shape_cast %reduce_sum3A_158 : vector<1xf32> to vector<1x1x1xf32>
    %reduce_sum3A_160 = vector.extract %reduce_sum3A_159[0, 0, 0] : f32 from vector<1x1x1xf32>
    %add3A_161 = arith.addf %add3A_149, %reduce_sum3A_160 : f32
    %sub3A_162 = vector.broadcast %max3A_137 : f32 to vector<1x128xf32>
    %sub3A_163 = arith.subf %slice3A_119, %sub3A_162 : vector<1x128xf32>
    %exp3A_164 = math.exp %sub3A_163 : vector<1x128xf32>
    %jit3A_165 = arith.constant 0.000000e+00 : f32
    %broadcast_in_dim3A_166 = vector.broadcast %jit3A_165 : f32 to vector<1x128xf32>
    %select_n3A_167 = arith.select %and3A_126, %exp3A_164, %broadcast_in_dim3A_166 : vector<1x128xi1>, vector<1x128xf32>
    %reduce_sum3A_168 = vector.shape_cast %select_n3A_167 : vector<1x128xf32> to vector<1x1x128xf32>
    %reduce_sum3A_169 = arith.constant dense<0.000000e+00> : vector<1xf32>
    %reduce_sum3A_170 = vector.multi_reduction <add>, %reduce_sum3A_168, %reduce_sum3A_169 [1, 2] : vector<1x1x128xf32> to vector<1xf32>
    %reduce_sum3A_171 = vector.shape_cast %reduce_sum3A_170 : vector<1xf32> to vector<1x1x1xf32>
    %reduce_sum3A_172 = vector.extract %reduce_sum3A_171[0, 0, 0] : f32 from vector<1x1x1xf32>
    %add3A_173 = arith.addf %add3A_161, %reduce_sum3A_172 : f32
    %log3A_174 = math.log %add3A_173 : f32
    %add3A_175 = arith.addf %max3A_137, %log3A_174 : f32
    %slice3A_176 = vector.extract_strided_slice %get3A_1 {offsets = [1, 0], sizes = [1, 50], strides = [1, 1]} : vector<8x50xf32> to vector<1x50xf32>
    %reduce_max3A_177 = vector.shape_cast %slice3A_176 : vector<1x50xf32> to vector<1x1x50xf32>
    %reduce_max3A_178 = arith.constant dense<0xFF800000> : vector<1xf32>
    %reduce_max3A_179 = vector.multi_reduction <maximumf>, %reduce_max3A_177, %reduce_max3A_178 [1, 2] : vector<1x1x50xf32> to vector<1xf32>
    %reduce_max3A_180 = vector.shape_cast %reduce_max3A_179 : vector<1xf32> to vector<1x1x1xf32>
    %reduce_max3A_181 = vector.extract %reduce_max3A_180[0, 0, 0] : f32 from vector<1x1x1xf32>
    %sub3A_182 = vector.broadcast %reduce_max3A_181 : f32 to vector<1x50xf32>
    %sub3A_183 = arith.subf %slice3A_176, %sub3A_182 : vector<1x50xf32>
    %exp3A_184 = math.exp %sub3A_183 : vector<1x50xf32>
    %reduce_sum3A_185 = vector.shape_cast %exp3A_184 : vector<1x50xf32> to vector<1x1x50xf32>
    %reduce_sum3A_186 = arith.constant dense<0.000000e+00> : vector<1xf32>
    %reduce_sum3A_187 = vector.multi_reduction <add>, %reduce_sum3A_185, %reduce_sum3A_186 [1, 2] : vector<1x1x50xf32> to vector<1xf32>
    %reduce_sum3A_188 = vector.shape_cast %reduce_sum3A_187 : vector<1xf32> to vector<1x1x1xf32>
    %reduce_sum3A_189 = vector.extract %reduce_sum3A_188[0, 0, 0] : f32 from vector<1x1x1xf32>
    %log3A_190 = math.log %reduce_sum3A_189 : f32
    %add3A_191 = arith.addf %reduce_max3A_181, %log3A_190 : f32
    %neg3A_192 = arith.constant 0.000000e+00 : f32
    %neg3A_193 = vector.broadcast %neg3A_192 : f32 to vector<1x50xf32>
    %neg3A_194 = arith.subf %neg3A_193, %slice3A_176 : vector<1x50xf32>
    %reduce_max3A_195 = vector.shape_cast %neg3A_194 : vector<1x50xf32> to vector<1x1x50xf32>
    %reduce_max3A_196 = arith.constant dense<0xFF800000> : vector<1xf32>
    %reduce_max3A_197 = vector.multi_reduction <maximumf>, %reduce_max3A_195, %reduce_max3A_196 [1, 2] : vector<1x1x50xf32> to vector<1xf32>
    %reduce_max3A_198 = vector.shape_cast %reduce_max3A_197 : vector<1xf32> to vector<1x1x1xf32>
    %reduce_max3A_199 = vector.extract %reduce_max3A_198[0, 0, 0] : f32 from vector<1x1x1xf32>
    %max3A_200 = arith.constant 0.000000e+00 : f32
    %max3A_201 = arith.maximumf %reduce_max3A_199, %max3A_200 : f32
    %neg3A_202 = arith.constant 0.000000e+00 : f32
    %neg3A_203 = vector.broadcast %neg3A_202 : f32 to vector<1x50xf32>
    %neg3A_204 = arith.subf %neg3A_203, %slice3A_176 : vector<1x50xf32>
    %sub3A_205 = vector.broadcast %max3A_201 : f32 to vector<1x50xf32>
    %sub3A_206 = arith.subf %neg3A_204, %sub3A_205 : vector<1x50xf32>
    %exp3A_207 = math.exp %sub3A_206 : vector<1x50xf32>
    %reduce_sum3A_208 = vector.shape_cast %exp3A_207 : vector<1x50xf32> to vector<1x1x50xf32>
    %reduce_sum3A_209 = arith.constant dense<0.000000e+00> : vector<1xf32>
    %reduce_sum3A_210 = vector.multi_reduction <add>, %reduce_sum3A_208, %reduce_sum3A_209 [1, 2] : vector<1x1x50xf32> to vector<1xf32>
    %reduce_sum3A_211 = vector.shape_cast %reduce_sum3A_210 : vector<1xf32> to vector<1x1x1xf32>
    %reduce_sum3A_212 = vector.extract %reduce_sum3A_211[0, 0, 0] : f32 from vector<1x1x1xf32>
    %neg3A_213 = arith.constant 0.000000e+00 : f32
    %neg3A_214 = arith.subf %neg3A_213, %max3A_201 : f32
    %exp3A_215 = math.exp %neg3A_214 : f32
    %add3A_216 = arith.addf %reduce_sum3A_212, %exp3A_215 : f32
    %log3A_217 = math.log %add3A_216 : f32
    %add3A_218 = arith.addf %max3A_201, %log3A_217 : f32
    %sub3A_219 = arith.subf %add3A_191, %add3A_175 : f32
    %exp3A_220 = math.exp %sub3A_219 : f32
    %sub3A_221 = arith.constant 1.000000e+00 : f32
    %sub3A_222 = arith.subf %sub3A_221, %exp3A_220 : f32
    %jit3A_223 = arith.constant 1.000000e-07 : f32
    %jit3A_224 = arith.constant 1.000000e+00 : f32
    %max3A_225 = arith.maximumf %jit3A_223, %sub3A_222 : f32
    %min3A_226 = arith.minimumf %jit3A_224, %max3A_225 : f32
    %add3A_227 = arith.addf %add3A_218, %add3A_175 : f32
    %log3A_228 = math.log %min3A_226 : f32
    %add3A_229 = arith.addf %add3A_227, %log3A_228 : f32
    %reshape3A_230 = vector.broadcast %add3A_229 : f32 to vector<1x1xf32>
    %slice3A_231 = vector.extract_strided_slice %get3A_6 {offsets = [1563, 0], sizes = [780, 128], strides = [1, 1]} : vector<3125x128xf32> to vector<780x128xf32>
    %reduce_max3A_232 = vector.shape_cast %slice3A_231 : vector<780x128xf32> to vector<1x780x128xf32>
    %reduce_max3A_233 = arith.constant dense<0xFF800000> : vector<1xf32>
    %reduce_max3A_234 = vector.multi_reduction <maximumf>, %reduce_max3A_232, %reduce_max3A_233 [1, 2] : vector<1x780x128xf32> to vector<1xf32>
    %reduce_max3A_235 = vector.shape_cast %reduce_max3A_234 : vector<1xf32> to vector<1x1x1xf32>
    %reduce_max3A_236 = vector.extract %reduce_max3A_235[0, 0, 0] : f32 from vector<1x1x1xf32>
    %slice3A_237 = vector.extract_strided_slice %get3A_6 {offsets = [1562, 0], sizes = [1, 128], strides = [1, 1]} : vector<3125x128xf32> to vector<1x128xf32>
    %ge3A_238 = arith.constant 64 : i32
    %ge3A_239 = vector.broadcast %ge3A_238 : i32 to vector<1x128xi32>
    %ge3A_240 = arith.cmpi sge, %iota3A, %ge3A_239 : vector<1x128xi32>
    %lt3A_241 = arith.constant 128 : i32
    %lt3A_242 = vector.broadcast %lt3A_241 : i32 to vector<1x128xi32>
    %lt3A_243 = arith.cmpi slt, %iota3A, %lt3A_242 : vector<1x128xi32>
    %and3A_244 = arith.andi %ge3A_240, %lt3A_243 : vector<1x128xi1>
    %jit3A_245 = arith.constant -1.000000e+30 : f32
    %broadcast_in_dim3A_246 = vector.broadcast %jit3A_245 : f32 to vector<1x128xf32>
    %select_n3A_247 = arith.select %and3A_244, %slice3A_237, %broadcast_in_dim3A_246 : vector<1x128xi1>, vector<1x128xf32>
    %reduce_max3A_248 = vector.shape_cast %select_n3A_247 : vector<1x128xf32> to vector<1x1x128xf32>
    %reduce_max3A_249 = arith.constant dense<0xFF800000> : vector<1xf32>
    %reduce_max3A_250 = vector.multi_reduction <maximumf>, %reduce_max3A_248, %reduce_max3A_249 [1, 2] : vector<1x1x128xf32> to vector<1xf32>
    %reduce_max3A_251 = vector.shape_cast %reduce_max3A_250 : vector<1xf32> to vector<1x1x1xf32>
    %reduce_max3A_252 = vector.extract %reduce_max3A_251[0, 0, 0] : f32 from vector<1x1x1xf32>
    %max3A_253 = arith.maximumf %reduce_max3A_236, %reduce_max3A_252 : f32
    %slice3A_254 = vector.extract_strided_slice %get3A_6 {offsets = [2343, 0], sizes = [1, 128], strides = [1, 1]} : vector<3125x128xf32> to vector<1x128xf32>
    %ge3A_255 = arith.constant 0 : i32
    %ge3A_256 = vector.broadcast %ge3A_255 : i32 to vector<1x128xi32>
    %ge3A_257 = arith.cmpi sge, %iota3A, %ge3A_256 : vector<1x128xi32>
    %lt3A_258 = arith.constant 96 : i32
    %lt3A_259 = vector.broadcast %lt3A_258 : i32 to vector<1x128xi32>
    %lt3A_260 = arith.cmpi slt, %iota3A, %lt3A_259 : vector<1x128xi32>
    %and3A_261 = arith.andi %ge3A_257, %lt3A_260 : vector<1x128xi1>
    %jit3A_262 = arith.constant -1.000000e+30 : f32
    %broadcast_in_dim3A_263 = vector.broadcast %jit3A_262 : f32 to vector<1x128xf32>
    %select_n3A_264 = arith.select %and3A_261, %slice3A_254, %broadcast_in_dim3A_263 : vector<1x128xi1>, vector<1x128xf32>
    %reduce_max3A_265 = vector.shape_cast %select_n3A_264 : vector<1x128xf32> to vector<1x1x128xf32>
    %reduce_max3A_266 = arith.constant dense<0xFF800000> : vector<1xf32>
    %reduce_max3A_267 = vector.multi_reduction <maximumf>, %reduce_max3A_265, %reduce_max3A_266 [1, 2] : vector<1x1x128xf32> to vector<1xf32>
    %reduce_max3A_268 = vector.shape_cast %reduce_max3A_267 : vector<1xf32> to vector<1x1x1xf32>
    %reduce_max3A_269 = vector.extract %reduce_max3A_268[0, 0, 0] : f32 from vector<1x1x1xf32>
    %max3A_270 = arith.maximumf %max3A_253, %reduce_max3A_269 : f32
    %max3A_271 = arith.constant 0.000000e+00 : f32
    %max3A_272 = arith.maximumf %max3A_270, %max3A_271 : f32
    %sub3A_273 = vector.broadcast %max3A_272 : f32 to vector<780x128xf32>
    %sub3A_274 = arith.subf %slice3A_231, %sub3A_273 : vector<780x128xf32>
    %exp3A_275 = math.exp %sub3A_274 : vector<780x128xf32>
    %reduce_sum3A_276 = vector.shape_cast %exp3A_275 : vector<780x128xf32> to vector<1x780x128xf32>
    %reduce_sum3A_277 = arith.constant dense<0.000000e+00> : vector<1xf32>
    %reduce_sum3A_278 = vector.multi_reduction <add>, %reduce_sum3A_276, %reduce_sum3A_277 [1, 2] : vector<1x780x128xf32> to vector<1xf32>
    %reduce_sum3A_279 = vector.shape_cast %reduce_sum3A_278 : vector<1xf32> to vector<1x1x1xf32>
    %reduce_sum3A_280 = vector.extract %reduce_sum3A_279[0, 0, 0] : f32 from vector<1x1x1xf32>
    %neg3A_281 = arith.constant 0.000000e+00 : f32
    %neg3A_282 = arith.subf %neg3A_281, %max3A_272 : f32
    %exp3A_283 = math.exp %neg3A_282 : f32
    %add3A_284 = arith.addf %reduce_sum3A_280, %exp3A_283 : f32
    %sub3A_285 = vector.broadcast %max3A_272 : f32 to vector<1x128xf32>
    %sub3A_286 = arith.subf %slice3A_237, %sub3A_285 : vector<1x128xf32>
    %exp3A_287 = math.exp %sub3A_286 : vector<1x128xf32>
    %jit3A_288 = arith.constant 0.000000e+00 : f32
    %broadcast_in_dim3A_289 = vector.broadcast %jit3A_288 : f32 to vector<1x128xf32>
    %select_n3A_290 = arith.select %and3A_244, %exp3A_287, %broadcast_in_dim3A_289 : vector<1x128xi1>, vector<1x128xf32>
    %reduce_sum3A_291 = vector.shape_cast %select_n3A_290 : vector<1x128xf32> to vector<1x1x128xf32>
    %reduce_sum3A_292 = arith.constant dense<0.000000e+00> : vector<1xf32>
    %reduce_sum3A_293 = vector.multi_reduction <add>, %reduce_sum3A_291, %reduce_sum3A_292 [1, 2] : vector<1x1x128xf32> to vector<1xf32>
    %reduce_sum3A_294 = vector.shape_cast %reduce_sum3A_293 : vector<1xf32> to vector<1x1x1xf32>
    %reduce_sum3A_295 = vector.extract %reduce_sum3A_294[0, 0, 0] : f32 from vector<1x1x1xf32>
    %add3A_296 = arith.addf %add3A_284, %reduce_sum3A_295 : f32
    %sub3A_297 = vector.broadcast %max3A_272 : f32 to vector<1x128xf32>
    %sub3A_298 = arith.subf %slice3A_254, %sub3A_297 : vector<1x128xf32>
    %exp3A_299 = math.exp %sub3A_298 : vector<1x128xf32>
    %jit3A_300 = arith.constant 0.000000e+00 : f32
    %broadcast_in_dim3A_301 = vector.broadcast %jit3A_300 : f32 to vector<1x128xf32>
    %select_n3A_302 = arith.select %and3A_261, %exp3A_299, %broadcast_in_dim3A_301 : vector<1x128xi1>, vector<1x128xf32>
    %reduce_sum3A_303 = vector.shape_cast %select_n3A_302 : vector<1x128xf32> to vector<1x1x128xf32>
    %reduce_sum3A_304 = arith.constant dense<0.000000e+00> : vector<1xf32>
    %reduce_sum3A_305 = vector.multi_reduction <add>, %reduce_sum3A_303, %reduce_sum3A_304 [1, 2] : vector<1x1x128xf32> to vector<1xf32>
    %reduce_sum3A_306 = vector.shape_cast %reduce_sum3A_305 : vector<1xf32> to vector<1x1x1xf32>
    %reduce_sum3A_307 = vector.extract %reduce_sum3A_306[0, 0, 0] : f32 from vector<1x1x1xf32>
    %add3A_308 = arith.addf %add3A_296, %reduce_sum3A_307 : f32
    %log3A_309 = math.log %add3A_308 : f32
    %add3A_310 = arith.addf %max3A_272, %log3A_309 : f32
    %slice3A_311 = vector.extract_strided_slice %get3A_1 {offsets = [2, 0], sizes = [1, 50], strides = [1, 1]} : vector<8x50xf32> to vector<1x50xf32>
    %reduce_max3A_312 = vector.shape_cast %slice3A_311 : vector<1x50xf32> to vector<1x1x50xf32>
    %reduce_max3A_313 = arith.constant dense<0xFF800000> : vector<1xf32>
    %reduce_max3A_314 = vector.multi_reduction <maximumf>, %reduce_max3A_312, %reduce_max3A_313 [1, 2] : vector<1x1x50xf32> to vector<1xf32>
    %reduce_max3A_315 = vector.shape_cast %reduce_max3A_314 : vector<1xf32> to vector<1x1x1xf32>
    %reduce_max3A_316 = vector.extract %reduce_max3A_315[0, 0, 0] : f32 from vector<1x1x1xf32>
    %sub3A_317 = vector.broadcast %reduce_max3A_316 : f32 to vector<1x50xf32>
    %sub3A_318 = arith.subf %slice3A_311, %sub3A_317 : vector<1x50xf32>
    %exp3A_319 = math.exp %sub3A_318 : vector<1x50xf32>
    %reduce_sum3A_320 = vector.shape_cast %exp3A_319 : vector<1x50xf32> to vector<1x1x50xf32>
    %reduce_sum3A_321 = arith.constant dense<0.000000e+00> : vector<1xf32>
    %reduce_sum3A_322 = vector.multi_reduction <add>, %reduce_sum3A_320, %reduce_sum3A_321 [1, 2] : vector<1x1x50xf32> to vector<1xf32>
    %reduce_sum3A_323 = vector.shape_cast %reduce_sum3A_322 : vector<1xf32> to vector<1x1x1xf32>
    %reduce_sum3A_324 = vector.extract %reduce_sum3A_323[0, 0, 0] : f32 from vector<1x1x1xf32>
    %log3A_325 = math.log %reduce_sum3A_324 : f32
    %add3A_326 = arith.addf %reduce_max3A_316, %log3A_325 : f32
    %neg3A_327 = arith.constant 0.000000e+00 : f32
    %neg3A_328 = vector.broadcast %neg3A_327 : f32 to vector<1x50xf32>
    %neg3A_329 = arith.subf %neg3A_328, %slice3A_311 : vector<1x50xf32>
    %reduce_max3A_330 = vector.shape_cast %neg3A_329 : vector<1x50xf32> to vector<1x1x50xf32>
    %reduce_max3A_331 = arith.constant dense<0xFF800000> : vector<1xf32>
    %reduce_max3A_332 = vector.multi_reduction <maximumf>, %reduce_max3A_330, %reduce_max3A_331 [1, 2] : vector<1x1x50xf32> to vector<1xf32>
    %reduce_max3A_333 = vector.shape_cast %reduce_max3A_332 : vector<1xf32> to vector<1x1x1xf32>
    %reduce_max3A_334 = vector.extract %reduce_max3A_333[0, 0, 0] : f32 from vector<1x1x1xf32>
    %max3A_335 = arith.constant 0.000000e+00 : f32
    %max3A_336 = arith.maximumf %reduce_max3A_334, %max3A_335 : f32
    %neg3A_337 = arith.constant 0.000000e+00 : f32
    %neg3A_338 = vector.broadcast %neg3A_337 : f32 to vector<1x50xf32>
    %neg3A_339 = arith.subf %neg3A_338, %slice3A_311 : vector<1x50xf32>
    %sub3A_340 = vector.broadcast %max3A_336 : f32 to vector<1x50xf32>
    %sub3A_341 = arith.subf %neg3A_339, %sub3A_340 : vector<1x50xf32>
    %exp3A_342 = math.exp %sub3A_341 : vector<1x50xf32>
    %reduce_sum3A_343 = vector.shape_cast %exp3A_342 : vector<1x50xf32> to vector<1x1x50xf32>
    %reduce_sum3A_344 = arith.constant dense<0.000000e+00> : vector<1xf32>
    %reduce_sum3A_345 = vector.multi_reduction <add>, %reduce_sum3A_343, %reduce_sum3A_344 [1, 2] : vector<1x1x50xf32> to vector<1xf32>
    %reduce_sum3A_346 = vector.shape_cast %reduce_sum3A_345 : vector<1xf32> to vector<1x1x1xf32>
    %reduce_sum3A_347 = vector.extract %reduce_sum3A_346[0, 0, 0] : f32 from vector<1x1x1xf32>
    %neg3A_348 = arith.constant 0.000000e+00 : f32
    %neg3A_349 = arith.subf %neg3A_348, %max3A_336 : f32
    %exp3A_350 = math.exp %neg3A_349 : f32
    %add3A_351 = arith.addf %reduce_sum3A_347, %exp3A_350 : f32
    %log3A_352 = math.log %add3A_351 : f32
    %add3A_353 = arith.addf %max3A_336, %log3A_352 : f32
    %sub3A_354 = arith.subf %add3A_326, %add3A_310 : f32
    %exp3A_355 = math.exp %sub3A_354 : f32
    %sub3A_356 = arith.constant 1.000000e+00 : f32
    %sub3A_357 = arith.subf %sub3A_356, %exp3A_355 : f32
    %jit3A_358 = arith.constant 1.000000e-07 : f32
    %jit3A_359 = arith.constant 1.000000e+00 : f32
    %max3A_360 = arith.maximumf %jit3A_358, %sub3A_357 : f32
    %min3A_361 = arith.minimumf %jit3A_359, %max3A_360 : f32
    %add3A_362 = arith.addf %add3A_353, %add3A_310 : f32
    %log3A_363 = math.log %min3A_361 : f32
    %add3A_364 = arith.addf %add3A_362, %log3A_363 : f32
    %reshape3A_365 = vector.broadcast %add3A_364 : f32 to vector<1x1xf32>
    %slice3A_366 = vector.extract_strided_slice %get3A_6 {offsets = [2344, 0], sizes = [781, 128], strides = [1, 1]} : vector<3125x128xf32> to vector<781x128xf32>
    %reduce_max3A_367 = vector.shape_cast %slice3A_366 : vector<781x128xf32> to vector<1x781x128xf32>
    %reduce_max3A_368 = arith.constant dense<0xFF800000> : vector<1xf32>
    %reduce_max3A_369 = vector.multi_reduction <maximumf>, %reduce_max3A_367, %reduce_max3A_368 [1, 2] : vector<1x781x128xf32> to vector<1xf32>
    %reduce_max3A_370 = vector.shape_cast %reduce_max3A_369 : vector<1xf32> to vector<1x1x1xf32>
    %reduce_max3A_371 = vector.extract %reduce_max3A_370[0, 0, 0] : f32 from vector<1x1x1xf32>
    %slice3A_372 = vector.extract_strided_slice %get3A_6 {offsets = [2343, 0], sizes = [1, 128], strides = [1, 1]} : vector<3125x128xf32> to vector<1x128xf32>
    %ge3A_373 = arith.constant 96 : i32
    %ge3A_374 = vector.broadcast %ge3A_373 : i32 to vector<1x128xi32>
    %ge3A_375 = arith.cmpi sge, %iota3A, %ge3A_374 : vector<1x128xi32>
    %lt3A_376 = arith.constant 128 : i32
    %lt3A_377 = vector.broadcast %lt3A_376 : i32 to vector<1x128xi32>
    %lt3A_378 = arith.cmpi slt, %iota3A, %lt3A_377 : vector<1x128xi32>
    %and3A_379 = arith.andi %ge3A_375, %lt3A_378 : vector<1x128xi1>
    %jit3A_380 = arith.constant -1.000000e+30 : f32
    %broadcast_in_dim3A_381 = vector.broadcast %jit3A_380 : f32 to vector<1x128xf32>
    %select_n3A_382 = arith.select %and3A_379, %slice3A_372, %broadcast_in_dim3A_381 : vector<1x128xi1>, vector<1x128xf32>
    %reduce_max3A_383 = vector.shape_cast %select_n3A_382 : vector<1x128xf32> to vector<1x1x128xf32>
    %reduce_max3A_384 = arith.constant dense<0xFF800000> : vector<1xf32>
    %reduce_max3A_385 = vector.multi_reduction <maximumf>, %reduce_max3A_383, %reduce_max3A_384 [1, 2] : vector<1x1x128xf32> to vector<1xf32>
    %reduce_max3A_386 = vector.shape_cast %reduce_max3A_385 : vector<1xf32> to vector<1x1x1xf32>
    %reduce_max3A_387 = vector.extract %reduce_max3A_386[0, 0, 0] : f32 from vector<1x1x1xf32>
    %max3A_388 = arith.maximumf %reduce_max3A_371, %reduce_max3A_387 : f32
    %max3A_389 = arith.constant 0.000000e+00 : f32
    %max3A_390 = arith.maximumf %max3A_388, %max3A_389 : f32
    %sub3A_391 = vector.broadcast %max3A_390 : f32 to vector<781x128xf32>
    %sub3A_392 = arith.subf %slice3A_366, %sub3A_391 : vector<781x128xf32>
    %exp3A_393 = math.exp %sub3A_392 : vector<781x128xf32>
    %reduce_sum3A_394 = vector.shape_cast %exp3A_393 : vector<781x128xf32> to vector<1x781x128xf32>
    %reduce_sum3A_395 = arith.constant dense<0.000000e+00> : vector<1xf32>
    %reduce_sum3A_396 = vector.multi_reduction <add>, %reduce_sum3A_394, %reduce_sum3A_395 [1, 2] : vector<1x781x128xf32> to vector<1xf32>
    %reduce_sum3A_397 = vector.shape_cast %reduce_sum3A_396 : vector<1xf32> to vector<1x1x1xf32>
    %reduce_sum3A_398 = vector.extract %reduce_sum3A_397[0, 0, 0] : f32 from vector<1x1x1xf32>
    %neg3A_399 = arith.constant 0.000000e+00 : f32
    %neg3A_400 = arith.subf %neg3A_399, %max3A_390 : f32
    %exp3A_401 = math.exp %neg3A_400 : f32
    %add3A_402 = arith.addf %reduce_sum3A_398, %exp3A_401 : f32
    %sub3A_403 = vector.broadcast %max3A_390 : f32 to vector<1x128xf32>
    %sub3A_404 = arith.subf %slice3A_372, %sub3A_403 : vector<1x128xf32>
    %exp3A_405 = math.exp %sub3A_404 : vector<1x128xf32>
    %jit3A_406 = arith.constant 0.000000e+00 : f32
    %broadcast_in_dim3A_407 = vector.broadcast %jit3A_406 : f32 to vector<1x128xf32>
    %select_n3A_408 = arith.select %and3A_379, %exp3A_405, %broadcast_in_dim3A_407 : vector<1x128xi1>, vector<1x128xf32>
    %reduce_sum3A_409 = vector.shape_cast %select_n3A_408 : vector<1x128xf32> to vector<1x1x128xf32>
    %reduce_sum3A_410 = arith.constant dense<0.000000e+00> : vector<1xf32>
    %reduce_sum3A_411 = vector.multi_reduction <add>, %reduce_sum3A_409, %reduce_sum3A_410 [1, 2] : vector<1x1x128xf32> to vector<1xf32>
    %reduce_sum3A_412 = vector.shape_cast %reduce_sum3A_411 : vector<1xf32> to vector<1x1x1xf32>
    %reduce_sum3A_413 = vector.extract %reduce_sum3A_412[0, 0, 0] : f32 from vector<1x1x1xf32>
    %add3A_414 = arith.addf %add3A_402, %reduce_sum3A_413 : f32
    %log3A_415 = math.log %add3A_414 : f32
    %add3A_416 = arith.addf %max3A_390, %log3A_415 : f32
    %slice3A_417 = vector.extract_strided_slice %get3A_1 {offsets = [3, 0], sizes = [1, 50], strides = [1, 1]} : vector<8x50xf32> to vector<1x50xf32>
    %reduce_max3A_418 = vector.shape_cast %slice3A_417 : vector<1x50xf32> to vector<1x1x50xf32>
    %reduce_max3A_419 = arith.constant dense<0xFF800000> : vector<1xf32>
    %reduce_max3A_420 = vector.multi_reduction <maximumf>, %reduce_max3A_418, %reduce_max3A_419 [1, 2] : vector<1x1x50xf32> to vector<1xf32>
    %reduce_max3A_421 = vector.shape_cast %reduce_max3A_420 : vector<1xf32> to vector<1x1x1xf32>
    %reduce_max3A_422 = vector.extract %reduce_max3A_421[0, 0, 0] : f32 from vector<1x1x1xf32>
    %sub3A_423 = vector.broadcast %reduce_max3A_422 : f32 to vector<1x50xf32>
    %sub3A_424 = arith.subf %slice3A_417, %sub3A_423 : vector<1x50xf32>
    %exp3A_425 = math.exp %sub3A_424 : vector<1x50xf32>
    %reduce_sum3A_426 = vector.shape_cast %exp3A_425 : vector<1x50xf32> to vector<1x1x50xf32>
    %reduce_sum3A_427 = arith.constant dense<0.000000e+00> : vector<1xf32>
    %reduce_sum3A_428 = vector.multi_reduction <add>, %reduce_sum3A_426, %reduce_sum3A_427 [1, 2] : vector<1x1x50xf32> to vector<1xf32>
    %reduce_sum3A_429 = vector.shape_cast %reduce_sum3A_428 : vector<1xf32> to vector<1x1x1xf32>
    %reduce_sum3A_430 = vector.extract %reduce_sum3A_429[0, 0, 0] : f32 from vector<1x1x1xf32>
    %log3A_431 = math.log %reduce_sum3A_430 : f32
    %add3A_432 = arith.addf %reduce_max3A_422, %log3A_431 : f32
    %neg3A_433 = arith.constant 0.000000e+00 : f32
    %neg3A_434 = vector.broadcast %neg3A_433 : f32 to vector<1x50xf32>
    %neg3A_435 = arith.subf %neg3A_434, %slice3A_417 : vector<1x50xf32>
    %reduce_max3A_436 = vector.shape_cast %neg3A_435 : vector<1x50xf32> to vector<1x1x50xf32>
    %reduce_max3A_437 = arith.constant dense<0xFF800000> : vector<1xf32>
    %reduce_max3A_438 = vector.multi_reduction <maximumf>, %reduce_max3A_436, %reduce_max3A_437 [1, 2] : vector<1x1x50xf32> to vector<1xf32>
    %reduce_max3A_439 = vector.shape_cast %reduce_max3A_438 : vector<1xf32> to vector<1x1x1xf32>
    %reduce_max3A_440 = vector.extract %reduce_max3A_439[0, 0, 0] : f32 from vector<1x1x1xf32>
    %max3A_441 = arith.constant 0.000000e+00 : f32
    %max3A_442 = arith.maximumf %reduce_max3A_440, %max3A_441 : f32
    %neg3A_443 = arith.constant 0.000000e+00 : f32
    %neg3A_444 = vector.broadcast %neg3A_443 : f32 to vector<1x50xf32>
    %neg3A_445 = arith.subf %neg3A_444, %slice3A_417 : vector<1x50xf32>
    %sub3A_446 = vector.broadcast %max3A_442 : f32 to vector<1x50xf32>
    %sub3A_447 = arith.subf %neg3A_445, %sub3A_446 : vector<1x50xf32>
    %exp3A_448 = math.exp %sub3A_447 : vector<1x50xf32>
    %reduce_sum3A_449 = vector.shape_cast %exp3A_448 : vector<1x50xf32> to vector<1x1x50xf32>
    %reduce_sum3A_450 = arith.constant dense<0.000000e+00> : vector<1xf32>
    %reduce_sum3A_451 = vector.multi_reduction <add>, %reduce_sum3A_449, %reduce_sum3A_450 [1, 2] : vector<1x1x50xf32> to vector<1xf32>
    %reduce_sum3A_452 = vector.shape_cast %reduce_sum3A_451 : vector<1xf32> to vector<1x1x1xf32>
    %reduce_sum3A_453 = vector.extract %reduce_sum3A_452[0, 0, 0] : f32 from vector<1x1x1xf32>
    %neg3A_454 = arith.constant 0.000000e+00 : f32
    %neg3A_455 = arith.subf %neg3A_454, %max3A_442 : f32
    %exp3A_456 = math.exp %neg3A_455 : f32
    %add3A_457 = arith.addf %reduce_sum3A_453, %exp3A_456 : f32
    %log3A_458 = math.log %add3A_457 : f32
    %add3A_459 = arith.addf %max3A_442, %log3A_458 : f32
    %sub3A_460 = arith.subf %add3A_432, %add3A_416 : f32
    %exp3A_461 = math.exp %sub3A_460 : f32
    %sub3A_462 = arith.constant 1.000000e+00 : f32
    %sub3A_463 = arith.subf %sub3A_462, %exp3A_461 : f32
    %jit3A_464 = arith.constant 1.000000e-07 : f32
    %jit3A_465 = arith.constant 1.000000e+00 : f32
    %max3A_466 = arith.maximumf %jit3A_464, %sub3A_463 : f32
    %min3A_467 = arith.minimumf %jit3A_465, %max3A_466 : f32
    %add3A_468 = arith.addf %add3A_459, %add3A_416 : f32
    %log3A_469 = math.log %min3A_467 : f32
    %add3A_470 = arith.addf %add3A_468, %log3A_469 : f32
    %reshape3A_471 = vector.broadcast %add3A_470 : f32 to vector<1x1xf32>
    %get3A_472 = arith.constant 1 : index
    %get3A_473 = arith.constant 0 : index
    %get3A_474 = arith.constant 0 : index
    %get3A_475 = vector.load %arg1[%get3A_472, %get3A_473, %get3A_474] : memref<2x3125x128xf32, #tpu.memory_space<vmem>>, vector<1x3125x128xf32>
    %get3A_476 = vector.shape_cast %get3A_475 : vector<1x3125x128xf32> to vector<3125x128xf32>
    %slice3A_477 = vector.extract_strided_slice %get3A_476 {offsets = [0, 0], sizes = [781, 128], strides = [1, 1]} : vector<3125x128xf32> to vector<781x128xf32>
    %reduce_max3A_478 = vector.shape_cast %slice3A_477 : vector<781x128xf32> to vector<1x781x128xf32>
    %reduce_max3A_479 = arith.constant dense<0xFF800000> : vector<1xf32>
    %reduce_max3A_480 = vector.multi_reduction <maximumf>, %reduce_max3A_478, %reduce_max3A_479 [1, 2] : vector<1x781x128xf32> to vector<1xf32>
    %reduce_max3A_481 = vector.shape_cast %reduce_max3A_480 : vector<1xf32> to vector<1x1x1xf32>
    %reduce_max3A_482 = vector.extract %reduce_max3A_481[0, 0, 0] : f32 from vector<1x1x1xf32>
    %slice3A_483 = vector.extract_strided_slice %get3A_476 {offsets = [781, 0], sizes = [1, 128], strides = [1, 1]} : vector<3125x128xf32> to vector<1x128xf32>
    %ge3A_484 = arith.constant 0 : i32
    %ge3A_485 = vector.broadcast %ge3A_484 : i32 to vector<1x128xi32>
    %ge3A_486 = arith.cmpi sge, %iota3A, %ge3A_485 : vector<1x128xi32>
    %lt3A_487 = arith.constant 32 : i32
    %lt3A_488 = vector.broadcast %lt3A_487 : i32 to vector<1x128xi32>
    %lt3A_489 = arith.cmpi slt, %iota3A, %lt3A_488 : vector<1x128xi32>
    %and3A_490 = arith.andi %ge3A_486, %lt3A_489 : vector<1x128xi1>
    %jit3A_491 = arith.constant -1.000000e+30 : f32
    %broadcast_in_dim3A_492 = vector.broadcast %jit3A_491 : f32 to vector<1x128xf32>
    %select_n3A_493 = arith.select %and3A_490, %slice3A_483, %broadcast_in_dim3A_492 : vector<1x128xi1>, vector<1x128xf32>
    %reduce_max3A_494 = vector.shape_cast %select_n3A_493 : vector<1x128xf32> to vector<1x1x128xf32>
    %reduce_max3A_495 = arith.constant dense<0xFF800000> : vector<1xf32>
    %reduce_max3A_496 = vector.multi_reduction <maximumf>, %reduce_max3A_494, %reduce_max3A_495 [1, 2] : vector<1x1x128xf32> to vector<1xf32>
    %reduce_max3A_497 = vector.shape_cast %reduce_max3A_496 : vector<1xf32> to vector<1x1x1xf32>
    %reduce_max3A_498 = vector.extract %reduce_max3A_497[0, 0, 0] : f32 from vector<1x1x1xf32>
    %max3A_499 = arith.maximumf %reduce_max3A_482, %reduce_max3A_498 : f32
    %max3A_500 = arith.constant 0.000000e+00 : f32
    %max3A_501 = arith.maximumf %max3A_499, %max3A_500 : f32
    %sub3A_502 = vector.broadcast %max3A_501 : f32 to vector<781x128xf32>
    %sub3A_503 = arith.subf %slice3A_477, %sub3A_502 : vector<781x128xf32>
    %exp3A_504 = math.exp %sub3A_503 : vector<781x128xf32>
    %reduce_sum3A_505 = vector.shape_cast %exp3A_504 : vector<781x128xf32> to vector<1x781x128xf32>
    %reduce_sum3A_506 = arith.constant dense<0.000000e+00> : vector<1xf32>
    %reduce_sum3A_507 = vector.multi_reduction <add>, %reduce_sum3A_505, %reduce_sum3A_506 [1, 2] : vector<1x781x128xf32> to vector<1xf32>
    %reduce_sum3A_508 = vector.shape_cast %reduce_sum3A_507 : vector<1xf32> to vector<1x1x1xf32>
    %reduce_sum3A_509 = vector.extract %reduce_sum3A_508[0, 0, 0] : f32 from vector<1x1x1xf32>
    %neg3A_510 = arith.constant 0.000000e+00 : f32
    %neg3A_511 = arith.subf %neg3A_510, %max3A_501 : f32
    %exp3A_512 = math.exp %neg3A_511 : f32
    %add3A_513 = arith.addf %reduce_sum3A_509, %exp3A_512 : f32
    %sub3A_514 = vector.broadcast %max3A_501 : f32 to vector<1x128xf32>
    %sub3A_515 = arith.subf %slice3A_483, %sub3A_514 : vector<1x128xf32>
    %exp3A_516 = math.exp %sub3A_515 : vector<1x128xf32>
    %jit3A_517 = arith.constant 0.000000e+00 : f32
    %broadcast_in_dim3A_518 = vector.broadcast %jit3A_517 : f32 to vector<1x128xf32>
    %select_n3A_519 = arith.select %and3A_490, %exp3A_516, %broadcast_in_dim3A_518 : vector<1x128xi1>, vector<1x128xf32>
    %reduce_sum3A_520 = vector.shape_cast %select_n3A_519 : vector<1x128xf32> to vector<1x1x128xf32>
    %reduce_sum3A_521 = arith.constant dense<0.000000e+00> : vector<1xf32>
    %reduce_sum3A_522 = vector.multi_reduction <add>, %reduce_sum3A_520, %reduce_sum3A_521 [1, 2] : vector<1x1x128xf32> to vector<1xf32>
    %reduce_sum3A_523 = vector.shape_cast %reduce_sum3A_522 : vector<1xf32> to vector<1x1x1xf32>
    %reduce_sum3A_524 = vector.extract %reduce_sum3A_523[0, 0, 0] : f32 from vector<1x1x1xf32>
    %add3A_525 = arith.addf %add3A_513, %reduce_sum3A_524 : f32
    %log3A_526 = math.log %add3A_525 : f32
    %add3A_527 = arith.addf %max3A_501, %log3A_526 : f32
    %slice3A_528 = vector.extract_strided_slice %get3A_1 {offsets = [4, 0], sizes = [1, 50], strides = [1, 1]} : vector<8x50xf32> to vector<1x50xf32>
    %reduce_max3A_529 = vector.shape_cast %slice3A_528 : vector<1x50xf32> to vector<1x1x50xf32>
    %reduce_max3A_530 = arith.constant dense<0xFF800000> : vector<1xf32>
    %reduce_max3A_531 = vector.multi_reduction <maximumf>, %reduce_max3A_529, %reduce_max3A_530 [1, 2] : vector<1x1x50xf32> to vector<1xf32>
    %reduce_max3A_532 = vector.shape_cast %reduce_max3A_531 : vector<1xf32> to vector<1x1x1xf32>
    %reduce_max3A_533 = vector.extract %reduce_max3A_532[0, 0, 0] : f32 from vector<1x1x1xf32>
    %sub3A_534 = vector.broadcast %reduce_max3A_533 : f32 to vector<1x50xf32>
    %sub3A_535 = arith.subf %slice3A_528, %sub3A_534 : vector<1x50xf32>
    %exp3A_536 = math.exp %sub3A_535 : vector<1x50xf32>
    %reduce_sum3A_537 = vector.shape_cast %exp3A_536 : vector<1x50xf32> to vector<1x1x50xf32>
    %reduce_sum3A_538 = arith.constant dense<0.000000e+00> : vector<1xf32>
    %reduce_sum3A_539 = vector.multi_reduction <add>, %reduce_sum3A_537, %reduce_sum3A_538 [1, 2] : vector<1x1x50xf32> to vector<1xf32>
    %reduce_sum3A_540 = vector.shape_cast %reduce_sum3A_539 : vector<1xf32> to vector<1x1x1xf32>
    %reduce_sum3A_541 = vector.extract %reduce_sum3A_540[0, 0, 0] : f32 from vector<1x1x1xf32>
    %log3A_542 = math.log %reduce_sum3A_541 : f32
    %add3A_543 = arith.addf %reduce_max3A_533, %log3A_542 : f32
    %neg3A_544 = arith.constant 0.000000e+00 : f32
    %neg3A_545 = vector.broadcast %neg3A_544 : f32 to vector<1x50xf32>
    %neg3A_546 = arith.subf %neg3A_545, %slice3A_528 : vector<1x50xf32>
    %reduce_max3A_547 = vector.shape_cast %neg3A_546 : vector<1x50xf32> to vector<1x1x50xf32>
    %reduce_max3A_548 = arith.constant dense<0xFF800000> : vector<1xf32>
    %reduce_max3A_549 = vector.multi_reduction <maximumf>, %reduce_max3A_547, %reduce_max3A_548 [1, 2] : vector<1x1x50xf32> to vector<1xf32>
    %reduce_max3A_550 = vector.shape_cast %reduce_max3A_549 : vector<1xf32> to vector<1x1x1xf32>
    %reduce_max3A_551 = vector.extract %reduce_max3A_550[0, 0, 0] : f32 from vector<1x1x1xf32>
    %max3A_552 = arith.constant 0.000000e+00 : f32
    %max3A_553 = arith.maximumf %reduce_max3A_551, %max3A_552 : f32
    %neg3A_554 = arith.constant 0.000000e+00 : f32
    %neg3A_555 = vector.broadcast %neg3A_554 : f32 to vector<1x50xf32>
    %neg3A_556 = arith.subf %neg3A_555, %slice3A_528 : vector<1x50xf32>
    %sub3A_557 = vector.broadcast %max3A_553 : f32 to vector<1x50xf32>
    %sub3A_558 = arith.subf %neg3A_556, %sub3A_557 : vector<1x50xf32>
    %exp3A_559 = math.exp %sub3A_558 : vector<1x50xf32>
    %reduce_sum3A_560 = vector.shape_cast %exp3A_559 : vector<1x50xf32> to vector<1x1x50xf32>
    %reduce_sum3A_561 = arith.constant dense<0.000000e+00> : vector<1xf32>
    %reduce_sum3A_562 = vector.multi_reduction <add>, %reduce_sum3A_560, %reduce_sum3A_561 [1, 2] : vector<1x1x50xf32> to vector<1xf32>
    %reduce_sum3A_563 = vector.shape_cast %reduce_sum3A_562 : vector<1xf32> to vector<1x1x1xf32>
    %reduce_sum3A_564 = vector.extract %reduce_sum3A_563[0, 0, 0] : f32 from vector<1x1x1xf32>
    %neg3A_565 = arith.constant 0.000000e+00 : f32
    %neg3A_566 = arith.subf %neg3A_565, %max3A_553 : f32
    %exp3A_567 = math.exp %neg3A_566 : f32
    %add3A_568 = arith.addf %reduce_sum3A_564, %exp3A_567 : f32
    %log3A_569 = math.log %add3A_568 : f32
    %add3A_570 = arith.addf %max3A_553, %log3A_569 : f32
    %sub3A_571 = arith.subf %add3A_543, %add3A_527 : f32
    %exp3A_572 = math.exp %sub3A_571 : f32
    %sub3A_573 = arith.constant 1.000000e+00 : f32
    %sub3A_574 = arith.subf %sub3A_573, %exp3A_572 : f32
    %jit3A_575 = arith.constant 1.000000e-07 : f32
    %jit3A_576 = arith.constant 1.000000e+00 : f32
    %max3A_577 = arith.maximumf %jit3A_575, %sub3A_574 : f32
    %min3A_578 = arith.minimumf %jit3A_576, %max3A_577 : f32
    %add3A_579 = arith.addf %add3A_570, %add3A_527 : f32
    %log3A_580 = math.log %min3A_578 : f32
    %add3A_581 = arith.addf %add3A_579, %log3A_580 : f32
    %reshape3A_582 = vector.broadcast %add3A_581 : f32 to vector<1x1xf32>
    %slice3A_583 = vector.extract_strided_slice %get3A_476 {offsets = [782, 0], sizes = [780, 128], strides = [1, 1]} : vector<3125x128xf32> to vector<780x128xf32>
    %reduce_max3A_584 = vector.shape_cast %slice3A_583 : vector<780x128xf32> to vector<1x780x128xf32>
    %reduce_max3A_585 = arith.constant dense<0xFF800000> : vector<1xf32>
    %reduce_max3A_586 = vector.multi_reduction <maximumf>, %reduce_max3A_584, %reduce_max3A_585 [1, 2] : vector<1x780x128xf32> to vector<1xf32>
    %reduce_max3A_587 = vector.shape_cast %reduce_max3A_586 : vector<1xf32> to vector<1x1x1xf32>
    %reduce_max3A_588 = vector.extract %reduce_max3A_587[0, 0, 0] : f32 from vector<1x1x1xf32>
    %slice3A_589 = vector.extract_strided_slice %get3A_476 {offsets = [781, 0], sizes = [1, 128], strides = [1, 1]} : vector<3125x128xf32> to vector<1x128xf32>
    %ge3A_590 = arith.constant 32 : i32
    %ge3A_591 = vector.broadcast %ge3A_590 : i32 to vector<1x128xi32>
    %ge3A_592 = arith.cmpi sge, %iota3A, %ge3A_591 : vector<1x128xi32>
    %lt3A_593 = arith.constant 128 : i32
    %lt3A_594 = vector.broadcast %lt3A_593 : i32 to vector<1x128xi32>
    %lt3A_595 = arith.cmpi slt, %iota3A, %lt3A_594 : vector<1x128xi32>
    %and3A_596 = arith.andi %ge3A_592, %lt3A_595 : vector<1x128xi1>
    %jit3A_597 = arith.constant -1.000000e+30 : f32
    %broadcast_in_dim3A_598 = vector.broadcast %jit3A_597 : f32 to vector<1x128xf32>
    %select_n3A_599 = arith.select %and3A_596, %slice3A_589, %broadcast_in_dim3A_598 : vector<1x128xi1>, vector<1x128xf32>
    %reduce_max3A_600 = vector.shape_cast %select_n3A_599 : vector<1x128xf32> to vector<1x1x128xf32>
    %reduce_max3A_601 = arith.constant dense<0xFF800000> : vector<1xf32>
    %reduce_max3A_602 = vector.multi_reduction <maximumf>, %reduce_max3A_600, %reduce_max3A_601 [1, 2] : vector<1x1x128xf32> to vector<1xf32>
    %reduce_max3A_603 = vector.shape_cast %reduce_max3A_602 : vector<1xf32> to vector<1x1x1xf32>
    %reduce_max3A_604 = vector.extract %reduce_max3A_603[0, 0, 0] : f32 from vector<1x1x1xf32>
    %max3A_605 = arith.maximumf %reduce_max3A_588, %reduce_max3A_604 : f32
    %slice3A_606 = vector.extract_strided_slice %get3A_476 {offsets = [1562, 0], sizes = [1, 128], strides = [1, 1]} : vector<3125x128xf32> to vector<1x128xf32>
    %ge3A_607 = arith.constant 0 : i32
    %ge3A_608 = vector.broadcast %ge3A_607 : i32 to vector<1x128xi32>
    %ge3A_609 = arith.cmpi sge, %iota3A, %ge3A_608 : vector<1x128xi32>
    %lt3A_610 = arith.constant 64 : i32
    %lt3A_611 = vector.broadcast %lt3A_610 : i32 to vector<1x128xi32>
    %lt3A_612 = arith.cmpi slt, %iota3A, %lt3A_611 : vector<1x128xi32>
    %and3A_613 = arith.andi %ge3A_609, %lt3A_612 : vector<1x128xi1>
    %jit3A_614 = arith.constant -1.000000e+30 : f32
    %broadcast_in_dim3A_615 = vector.broadcast %jit3A_614 : f32 to vector<1x128xf32>
    %select_n3A_616 = arith.select %and3A_613, %slice3A_606, %broadcast_in_dim3A_615 : vector<1x128xi1>, vector<1x128xf32>
    %reduce_max3A_617 = vector.shape_cast %select_n3A_616 : vector<1x128xf32> to vector<1x1x128xf32>
    %reduce_max3A_618 = arith.constant dense<0xFF800000> : vector<1xf32>
    %reduce_max3A_619 = vector.multi_reduction <maximumf>, %reduce_max3A_617, %reduce_max3A_618 [1, 2] : vector<1x1x128xf32> to vector<1xf32>
    %reduce_max3A_620 = vector.shape_cast %reduce_max3A_619 : vector<1xf32> to vector<1x1x1xf32>
    %reduce_max3A_621 = vector.extract %reduce_max3A_620[0, 0, 0] : f32 from vector<1x1x1xf32>
    %max3A_622 = arith.maximumf %max3A_605, %reduce_max3A_621 : f32
    %max3A_623 = arith.constant 0.000000e+00 : f32
    %max3A_624 = arith.maximumf %max3A_622, %max3A_623 : f32
    %sub3A_625 = vector.broadcast %max3A_624 : f32 to vector<780x128xf32>
    %sub3A_626 = arith.subf %slice3A_583, %sub3A_625 : vector<780x128xf32>
    %exp3A_627 = math.exp %sub3A_626 : vector<780x128xf32>
    %reduce_sum3A_628 = vector.shape_cast %exp3A_627 : vector<780x128xf32> to vector<1x780x128xf32>
    %reduce_sum3A_629 = arith.constant dense<0.000000e+00> : vector<1xf32>
    %reduce_sum3A_630 = vector.multi_reduction <add>, %reduce_sum3A_628, %reduce_sum3A_629 [1, 2] : vector<1x780x128xf32> to vector<1xf32>
    %reduce_sum3A_631 = vector.shape_cast %reduce_sum3A_630 : vector<1xf32> to vector<1x1x1xf32>
    %reduce_sum3A_632 = vector.extract %reduce_sum3A_631[0, 0, 0] : f32 from vector<1x1x1xf32>
    %neg3A_633 = arith.constant 0.000000e+00 : f32
    %neg3A_634 = arith.subf %neg3A_633, %max3A_624 : f32
    %exp3A_635 = math.exp %neg3A_634 : f32
    %add3A_636 = arith.addf %reduce_sum3A_632, %exp3A_635 : f32
    %sub3A_637 = vector.broadcast %max3A_624 : f32 to vector<1x128xf32>
    %sub3A_638 = arith.subf %slice3A_589, %sub3A_637 : vector<1x128xf32>
    %exp3A_639 = math.exp %sub3A_638 : vector<1x128xf32>
    %jit3A_640 = arith.constant 0.000000e+00 : f32
    %broadcast_in_dim3A_641 = vector.broadcast %jit3A_640 : f32 to vector<1x128xf32>
    %select_n3A_642 = arith.select %and3A_596, %exp3A_639, %broadcast_in_dim3A_641 : vector<1x128xi1>, vector<1x128xf32>
    %reduce_sum3A_643 = vector.shape_cast %select_n3A_642 : vector<1x128xf32> to vector<1x1x128xf32>
    %reduce_sum3A_644 = arith.constant dense<0.000000e+00> : vector<1xf32>
    %reduce_sum3A_645 = vector.multi_reduction <add>, %reduce_sum3A_643, %reduce_sum3A_644 [1, 2] : vector<1x1x128xf32> to vector<1xf32>
    %reduce_sum3A_646 = vector.shape_cast %reduce_sum3A_645 : vector<1xf32> to vector<1x1x1xf32>
    %reduce_sum3A_647 = vector.extract %reduce_sum3A_646[0, 0, 0] : f32 from vector<1x1x1xf32>
    %add3A_648 = arith.addf %add3A_636, %reduce_sum3A_647 : f32
    %sub3A_649 = vector.broadcast %max3A_624 : f32 to vector<1x128xf32>
    %sub3A_650 = arith.subf %slice3A_606, %sub3A_649 : vector<1x128xf32>
    %exp3A_651 = math.exp %sub3A_650 : vector<1x128xf32>
    %jit3A_652 = arith.constant 0.000000e+00 : f32
    %broadcast_in_dim3A_653 = vector.broadcast %jit3A_652 : f32 to vector<1x128xf32>
    %select_n3A_654 = arith.select %and3A_613, %exp3A_651, %broadcast_in_dim3A_653 : vector<1x128xi1>, vector<1x128xf32>
    %reduce_sum3A_655 = vector.shape_cast %select_n3A_654 : vector<1x128xf32> to vector<1x1x128xf32>
    %reduce_sum3A_656 = arith.constant dense<0.000000e+00> : vector<1xf32>
    %reduce_sum3A_657 = vector.multi_reduction <add>, %reduce_sum3A_655, %reduce_sum3A_656 [1, 2] : vector<1x1x128xf32> to vector<1xf32>
    %reduce_sum3A_658 = vector.shape_cast %reduce_sum3A_657 : vector<1xf32> to vector<1x1x1xf32>
    %reduce_sum3A_659 = vector.extract %reduce_sum3A_658[0, 0, 0] : f32 from vector<1x1x1xf32>
    %add3A_660 = arith.addf %add3A_648, %reduce_sum3A_659 : f32
    %log3A_661 = math.log %add3A_660 : f32
    %add3A_662 = arith.addf %max3A_624, %log3A_661 : f32
    %slice3A_663 = vector.extract_strided_slice %get3A_1 {offsets = [5, 0], sizes = [1, 50], strides = [1, 1]} : vector<8x50xf32> to vector<1x50xf32>
    %reduce_max3A_664 = vector.shape_cast %slice3A_663 : vector<1x50xf32> to vector<1x1x50xf32>
    %reduce_max3A_665 = arith.constant dense<0xFF800000> : vector<1xf32>
    %reduce_max3A_666 = vector.multi_reduction <maximumf>, %reduce_max3A_664, %reduce_max3A_665 [1, 2] : vector<1x1x50xf32> to vector<1xf32>
    %reduce_max3A_667 = vector.shape_cast %reduce_max3A_666 : vector<1xf32> to vector<1x1x1xf32>
    %reduce_max3A_668 = vector.extract %reduce_max3A_667[0, 0, 0] : f32 from vector<1x1x1xf32>
    %sub3A_669 = vector.broadcast %reduce_max3A_668 : f32 to vector<1x50xf32>
    %sub3A_670 = arith.subf %slice3A_663, %sub3A_669 : vector<1x50xf32>
    %exp3A_671 = math.exp %sub3A_670 : vector<1x50xf32>
    %reduce_sum3A_672 = vector.shape_cast %exp3A_671 : vector<1x50xf32> to vector<1x1x50xf32>
    %reduce_sum3A_673 = arith.constant dense<0.000000e+00> : vector<1xf32>
    %reduce_sum3A_674 = vector.multi_reduction <add>, %reduce_sum3A_672, %reduce_sum3A_673 [1, 2] : vector<1x1x50xf32> to vector<1xf32>
    %reduce_sum3A_675 = vector.shape_cast %reduce_sum3A_674 : vector<1xf32> to vector<1x1x1xf32>
    %reduce_sum3A_676 = vector.extract %reduce_sum3A_675[0, 0, 0] : f32 from vector<1x1x1xf32>
    %log3A_677 = math.log %reduce_sum3A_676 : f32
    %add3A_678 = arith.addf %reduce_max3A_668, %log3A_677 : f32
    %neg3A_679 = arith.constant 0.000000e+00 : f32
    %neg3A_680 = vector.broadcast %neg3A_679 : f32 to vector<1x50xf32>
    %neg3A_681 = arith.subf %neg3A_680, %slice3A_663 : vector<1x50xf32>
    %reduce_max3A_682 = vector.shape_cast %neg3A_681 : vector<1x50xf32> to vector<1x1x50xf32>
    %reduce_max3A_683 = arith.constant dense<0xFF800000> : vector<1xf32>
    %reduce_max3A_684 = vector.multi_reduction <maximumf>, %reduce_max3A_682, %reduce_max3A_683 [1, 2] : vector<1x1x50xf32> to vector<1xf32>
    %reduce_max3A_685 = vector.shape_cast %reduce_max3A_684 : vector<1xf32> to vector<1x1x1xf32>
    %reduce_max3A_686 = vector.extract %reduce_max3A_685[0, 0, 0] : f32 from vector<1x1x1xf32>
    %max3A_687 = arith.constant 0.000000e+00 : f32
    %max3A_688 = arith.maximumf %reduce_max3A_686, %max3A_687 : f32
    %neg3A_689 = arith.constant 0.000000e+00 : f32
    %neg3A_690 = vector.broadcast %neg3A_689 : f32 to vector<1x50xf32>
    %neg3A_691 = arith.subf %neg3A_690, %slice3A_663 : vector<1x50xf32>
    %sub3A_692 = vector.broadcast %max3A_688 : f32 to vector<1x50xf32>
    %sub3A_693 = arith.subf %neg3A_691, %sub3A_692 : vector<1x50xf32>
    %exp3A_694 = math.exp %sub3A_693 : vector<1x50xf32>
    %reduce_sum3A_695 = vector.shape_cast %exp3A_694 : vector<1x50xf32> to vector<1x1x50xf32>
    %reduce_sum3A_696 = arith.constant dense<0.000000e+00> : vector<1xf32>
    %reduce_sum3A_697 = vector.multi_reduction <add>, %reduce_sum3A_695, %reduce_sum3A_696 [1, 2] : vector<1x1x50xf32> to vector<1xf32>
    %reduce_sum3A_698 = vector.shape_cast %reduce_sum3A_697 : vector<1xf32> to vector<1x1x1xf32>
    %reduce_sum3A_699 = vector.extract %reduce_sum3A_698[0, 0, 0] : f32 from vector<1x1x1xf32>
    %neg3A_700 = arith.constant 0.000000e+00 : f32
    %neg3A_701 = arith.subf %neg3A_700, %max3A_688 : f32
    %exp3A_702 = math.exp %neg3A_701 : f32
    %add3A_703 = arith.addf %reduce_sum3A_699, %exp3A_702 : f32
    %log3A_704 = math.log %add3A_703 : f32
    %add3A_705 = arith.addf %max3A_688, %log3A_704 : f32
    %sub3A_706 = arith.subf %add3A_678, %add3A_662 : f32
    %exp3A_707 = math.exp %sub3A_706 : f32
    %sub3A_708 = arith.constant 1.000000e+00 : f32
    %sub3A_709 = arith.subf %sub3A_708, %exp3A_707 : f32
    %jit3A_710 = arith.constant 1.000000e-07 : f32
    %jit3A_711 = arith.constant 1.000000e+00 : f32
    %max3A_712 = arith.maximumf %jit3A_710, %sub3A_709 : f32
    %min3A_713 = arith.minimumf %jit3A_711, %max3A_712 : f32
    %add3A_714 = arith.addf %add3A_705, %add3A_662 : f32
    %log3A_715 = math.log %min3A_713 : f32
    %add3A_716 = arith.addf %add3A_714, %log3A_715 : f32
    %reshape3A_717 = vector.broadcast %add3A_716 : f32 to vector<1x1xf32>
    %slice3A_718 = vector.extract_strided_slice %get3A_476 {offsets = [1563, 0], sizes = [780, 128], strides = [1, 1]} : vector<3125x128xf32> to vector<780x128xf32>
    %reduce_max3A_719 = vector.shape_cast %slice3A_718 : vector<780x128xf32> to vector<1x780x128xf32>
    %reduce_max3A_720 = arith.constant dense<0xFF800000> : vector<1xf32>
    %reduce_max3A_721 = vector.multi_reduction <maximumf>, %reduce_max3A_719, %reduce_max3A_720 [1, 2] : vector<1x780x128xf32> to vector<1xf32>
    %reduce_max3A_722 = vector.shape_cast %reduce_max3A_721 : vector<1xf32> to vector<1x1x1xf32>
    %reduce_max3A_723 = vector.extract %reduce_max3A_722[0, 0, 0] : f32 from vector<1x1x1xf32>
    %slice3A_724 = vector.extract_strided_slice %get3A_476 {offsets = [1562, 0], sizes = [1, 128], strides = [1, 1]} : vector<3125x128xf32> to vector<1x128xf32>
    %ge3A_725 = arith.constant 64 : i32
    %ge3A_726 = vector.broadcast %ge3A_725 : i32 to vector<1x128xi32>
    %ge3A_727 = arith.cmpi sge, %iota3A, %ge3A_726 : vector<1x128xi32>
    %lt3A_728 = arith.constant 128 : i32
    %lt3A_729 = vector.broadcast %lt3A_728 : i32 to vector<1x128xi32>
    %lt3A_730 = arith.cmpi slt, %iota3A, %lt3A_729 : vector<1x128xi32>
    %and3A_731 = arith.andi %ge3A_727, %lt3A_730 : vector<1x128xi1>
    %jit3A_732 = arith.constant -1.000000e+30 : f32
    %broadcast_in_dim3A_733 = vector.broadcast %jit3A_732 : f32 to vector<1x128xf32>
    %select_n3A_734 = arith.select %and3A_731, %slice3A_724, %broadcast_in_dim3A_733 : vector<1x128xi1>, vector<1x128xf32>
    %reduce_max3A_735 = vector.shape_cast %select_n3A_734 : vector<1x128xf32> to vector<1x1x128xf32>
    %reduce_max3A_736 = arith.constant dense<0xFF800000> : vector<1xf32>
    %reduce_max3A_737 = vector.multi_reduction <maximumf>, %reduce_max3A_735, %reduce_max3A_736 [1, 2] : vector<1x1x128xf32> to vector<1xf32>
    %reduce_max3A_738 = vector.shape_cast %reduce_max3A_737 : vector<1xf32> to vector<1x1x1xf32>
    %reduce_max3A_739 = vector.extract %reduce_max3A_738[0, 0, 0] : f32 from vector<1x1x1xf32>
    %max3A_740 = arith.maximumf %reduce_max3A_723, %reduce_max3A_739 : f32
    %slice3A_741 = vector.extract_strided_slice %get3A_476 {offsets = [2343, 0], sizes = [1, 128], strides = [1, 1]} : vector<3125x128xf32> to vector<1x128xf32>
    %ge3A_742 = arith.constant 0 : i32
    %ge3A_743 = vector.broadcast %ge3A_742 : i32 to vector<1x128xi32>
    %ge3A_744 = arith.cmpi sge, %iota3A, %ge3A_743 : vector<1x128xi32>
    %lt3A_745 = arith.constant 96 : i32
    %lt3A_746 = vector.broadcast %lt3A_745 : i32 to vector<1x128xi32>
    %lt3A_747 = arith.cmpi slt, %iota3A, %lt3A_746 : vector<1x128xi32>
    %and3A_748 = arith.andi %ge3A_744, %lt3A_747 : vector<1x128xi1>
    %jit3A_749 = arith.constant -1.000000e+30 : f32
    %broadcast_in_dim3A_750 = vector.broadcast %jit3A_749 : f32 to vector<1x128xf32>
    %select_n3A_751 = arith.select %and3A_748, %slice3A_741, %broadcast_in_dim3A_750 : vector<1x128xi1>, vector<1x128xf32>
    %reduce_max3A_752 = vector.shape_cast %select_n3A_751 : vector<1x128xf32> to vector<1x1x128xf32>
    %reduce_max3A_753 = arith.constant dense<0xFF800000> : vector<1xf32>
    %reduce_max3A_754 = vector.multi_reduction <maximumf>, %reduce_max3A_752, %reduce_max3A_753 [1, 2] : vector<1x1x128xf32> to vector<1xf32>
    %reduce_max3A_755 = vector.shape_cast %reduce_max3A_754 : vector<1xf32> to vector<1x1x1xf32>
    %reduce_max3A_756 = vector.extract %reduce_max3A_755[0, 0, 0] : f32 from vector<1x1x1xf32>
    %max3A_757 = arith.maximumf %max3A_740, %reduce_max3A_756 : f32
    %max3A_758 = arith.constant 0.000000e+00 : f32
    %max3A_759 = arith.maximumf %max3A_757, %max3A_758 : f32
    %sub3A_760 = vector.broadcast %max3A_759 : f32 to vector<780x128xf32>
    %sub3A_761 = arith.subf %slice3A_718, %sub3A_760 : vector<780x128xf32>
    %exp3A_762 = math.exp %sub3A_761 : vector<780x128xf32>
    %reduce_sum3A_763 = vector.shape_cast %exp3A_762 : vector<780x128xf32> to vector<1x780x128xf32>
    %reduce_sum3A_764 = arith.constant dense<0.000000e+00> : vector<1xf32>
    %reduce_sum3A_765 = vector.multi_reduction <add>, %reduce_sum3A_763, %reduce_sum3A_764 [1, 2] : vector<1x780x128xf32> to vector<1xf32>
    %reduce_sum3A_766 = vector.shape_cast %reduce_sum3A_765 : vector<1xf32> to vector<1x1x1xf32>
    %reduce_sum3A_767 = vector.extract %reduce_sum3A_766[0, 0, 0] : f32 from vector<1x1x1xf32>
    %neg3A_768 = arith.constant 0.000000e+00 : f32
    %neg3A_769 = arith.subf %neg3A_768, %max3A_759 : f32
    %exp3A_770 = math.exp %neg3A_769 : f32
    %add3A_771 = arith.addf %reduce_sum3A_767, %exp3A_770 : f32
    %sub3A_772 = vector.broadcast %max3A_759 : f32 to vector<1x128xf32>
    %sub3A_773 = arith.subf %slice3A_724, %sub3A_772 : vector<1x128xf32>
    %exp3A_774 = math.exp %sub3A_773 : vector<1x128xf32>
    %jit3A_775 = arith.constant 0.000000e+00 : f32
    %broadcast_in_dim3A_776 = vector.broadcast %jit3A_775 : f32 to vector<1x128xf32>
    %select_n3A_777 = arith.select %and3A_731, %exp3A_774, %broadcast_in_dim3A_776 : vector<1x128xi1>, vector<1x128xf32>
    %reduce_sum3A_778 = vector.shape_cast %select_n3A_777 : vector<1x128xf32> to vector<1x1x128xf32>
    %reduce_sum3A_779 = arith.constant dense<0.000000e+00> : vector<1xf32>
    %reduce_sum3A_780 = vector.multi_reduction <add>, %reduce_sum3A_778, %reduce_sum3A_779 [1, 2] : vector<1x1x128xf32> to vector<1xf32>
    %reduce_sum3A_781 = vector.shape_cast %reduce_sum3A_780 : vector<1xf32> to vector<1x1x1xf32>
    %reduce_sum3A_782 = vector.extract %reduce_sum3A_781[0, 0, 0] : f32 from vector<1x1x1xf32>
    %add3A_783 = arith.addf %add3A_771, %reduce_sum3A_782 : f32
    %sub3A_784 = vector.broadcast %max3A_759 : f32 to vector<1x128xf32>
    %sub3A_785 = arith.subf %slice3A_741, %sub3A_784 : vector<1x128xf32>
    %exp3A_786 = math.exp %sub3A_785 : vector<1x128xf32>
    %jit3A_787 = arith.constant 0.000000e+00 : f32
    %broadcast_in_dim3A_788 = vector.broadcast %jit3A_787 : f32 to vector<1x128xf32>
    %select_n3A_789 = arith.select %and3A_748, %exp3A_786, %broadcast_in_dim3A_788 : vector<1x128xi1>, vector<1x128xf32>
    %reduce_sum3A_790 = vector.shape_cast %select_n3A_789 : vector<1x128xf32> to vector<1x1x128xf32>
    %reduce_sum3A_791 = arith.constant dense<0.000000e+00> : vector<1xf32>
    %reduce_sum3A_792 = vector.multi_reduction <add>, %reduce_sum3A_790, %reduce_sum3A_791 [1, 2] : vector<1x1x128xf32> to vector<1xf32>
    %reduce_sum3A_793 = vector.shape_cast %reduce_sum3A_792 : vector<1xf32> to vector<1x1x1xf32>
    %reduce_sum3A_794 = vector.extract %reduce_sum3A_793[0, 0, 0] : f32 from vector<1x1x1xf32>
    %add3A_795 = arith.addf %add3A_783, %reduce_sum3A_794 : f32
    %log3A_796 = math.log %add3A_795 : f32
    %add3A_797 = arith.addf %max3A_759, %log3A_796 : f32
    %slice3A_798 = vector.extract_strided_slice %get3A_1 {offsets = [6, 0], sizes = [1, 50], strides = [1, 1]} : vector<8x50xf32> to vector<1x50xf32>
    %reduce_max3A_799 = vector.shape_cast %slice3A_798 : vector<1x50xf32> to vector<1x1x50xf32>
    %reduce_max3A_800 = arith.constant dense<0xFF800000> : vector<1xf32>
    %reduce_max3A_801 = vector.multi_reduction <maximumf>, %reduce_max3A_799, %reduce_max3A_800 [1, 2] : vector<1x1x50xf32> to vector<1xf32>
    %reduce_max3A_802 = vector.shape_cast %reduce_max3A_801 : vector<1xf32> to vector<1x1x1xf32>
    %reduce_max3A_803 = vector.extract %reduce_max3A_802[0, 0, 0] : f32 from vector<1x1x1xf32>
    %sub3A_804 = vector.broadcast %reduce_max3A_803 : f32 to vector<1x50xf32>
    %sub3A_805 = arith.subf %slice3A_798, %sub3A_804 : vector<1x50xf32>
    %exp3A_806 = math.exp %sub3A_805 : vector<1x50xf32>
    %reduce_sum3A_807 = vector.shape_cast %exp3A_806 : vector<1x50xf32> to vector<1x1x50xf32>
    %reduce_sum3A_808 = arith.constant dense<0.000000e+00> : vector<1xf32>
    %reduce_sum3A_809 = vector.multi_reduction <add>, %reduce_sum3A_807, %reduce_sum3A_808 [1, 2] : vector<1x1x50xf32> to vector<1xf32>
    %reduce_sum3A_810 = vector.shape_cast %reduce_sum3A_809 : vector<1xf32> to vector<1x1x1xf32>
    %reduce_sum3A_811 = vector.extract %reduce_sum3A_810[0, 0, 0] : f32 from vector<1x1x1xf32>
    %log3A_812 = math.log %reduce_sum3A_811 : f32
    %add3A_813 = arith.addf %reduce_max3A_803, %log3A_812 : f32
    %neg3A_814 = arith.constant 0.000000e+00 : f32
    %neg3A_815 = vector.broadcast %neg3A_814 : f32 to vector<1x50xf32>
    %neg3A_816 = arith.subf %neg3A_815, %slice3A_798 : vector<1x50xf32>
    %reduce_max3A_817 = vector.shape_cast %neg3A_816 : vector<1x50xf32> to vector<1x1x50xf32>
    %reduce_max3A_818 = arith.constant dense<0xFF800000> : vector<1xf32>
    %reduce_max3A_819 = vector.multi_reduction <maximumf>, %reduce_max3A_817, %reduce_max3A_818 [1, 2] : vector<1x1x50xf32> to vector<1xf32>
    %reduce_max3A_820 = vector.shape_cast %reduce_max3A_819 : vector<1xf32> to vector<1x1x1xf32>
    %reduce_max3A_821 = vector.extract %reduce_max3A_820[0, 0, 0] : f32 from vector<1x1x1xf32>
    %max3A_822 = arith.constant 0.000000e+00 : f32
    %max3A_823 = arith.maximumf %reduce_max3A_821, %max3A_822 : f32
    %neg3A_824 = arith.constant 0.000000e+00 : f32
    %neg3A_825 = vector.broadcast %neg3A_824 : f32 to vector<1x50xf32>
    %neg3A_826 = arith.subf %neg3A_825, %slice3A_798 : vector<1x50xf32>
    %sub3A_827 = vector.broadcast %max3A_823 : f32 to vector<1x50xf32>
    %sub3A_828 = arith.subf %neg3A_826, %sub3A_827 : vector<1x50xf32>
    %exp3A_829 = math.exp %sub3A_828 : vector<1x50xf32>
    %reduce_sum3A_830 = vector.shape_cast %exp3A_829 : vector<1x50xf32> to vector<1x1x50xf32>
    %reduce_sum3A_831 = arith.constant dense<0.000000e+00> : vector<1xf32>
    %reduce_sum3A_832 = vector.multi_reduction <add>, %reduce_sum3A_830, %reduce_sum3A_831 [1, 2] : vector<1x1x50xf32> to vector<1xf32>
    %reduce_sum3A_833 = vector.shape_cast %reduce_sum3A_832 : vector<1xf32> to vector<1x1x1xf32>
    %reduce_sum3A_834 = vector.extract %reduce_sum3A_833[0, 0, 0] : f32 from vector<1x1x1xf32>
    %neg3A_835 = arith.constant 0.000000e+00 : f32
    %neg3A_836 = arith.subf %neg3A_835, %max3A_823 : f32
    %exp3A_837 = math.exp %neg3A_836 : f32
    %add3A_838 = arith.addf %reduce_sum3A_834, %exp3A_837 : f32
    %log3A_839 = math.log %add3A_838 : f32
    %add3A_840 = arith.addf %max3A_823, %log3A_839 : f32
    %sub3A_841 = arith.subf %add3A_813, %add3A_797 : f32
    %exp3A_842 = math.exp %sub3A_841 : f32
    %sub3A_843 = arith.constant 1.000000e+00 : f32
    %sub3A_844 = arith.subf %sub3A_843, %exp3A_842 : f32
    %jit3A_845 = arith.constant 1.000000e-07 : f32
    %jit3A_846 = arith.constant 1.000000e+00 : f32
    %max3A_847 = arith.maximumf %jit3A_845, %sub3A_844 : f32
    %min3A_848 = arith.minimumf %jit3A_846, %max3A_847 : f32
    %add3A_849 = arith.addf %add3A_840, %add3A_797 : f32
    %log3A_850 = math.log %min3A_848 : f32
    %add3A_851 = arith.addf %add3A_849, %log3A_850 : f32
    %reshape3A_852 = vector.broadcast %add3A_851 : f32 to vector<1x1xf32>
    %slice3A_853 = vector.extract_strided_slice %get3A_476 {offsets = [2344, 0], sizes = [781, 128], strides = [1, 1]} : vector<3125x128xf32> to vector<781x128xf32>
    %reduce_max3A_854 = vector.shape_cast %slice3A_853 : vector<781x128xf32> to vector<1x781x128xf32>
    %reduce_max3A_855 = arith.constant dense<0xFF800000> : vector<1xf32>
    %reduce_max3A_856 = vector.multi_reduction <maximumf>, %reduce_max3A_854, %reduce_max3A_855 [1, 2] : vector<1x781x128xf32> to vector<1xf32>
    %reduce_max3A_857 = vector.shape_cast %reduce_max3A_856 : vector<1xf32> to vector<1x1x1xf32>
    %reduce_max3A_858 = vector.extract %reduce_max3A_857[0, 0, 0] : f32 from vector<1x1x1xf32>
    %slice3A_859 = vector.extract_strided_slice %get3A_476 {offsets = [2343, 0], sizes = [1, 128], strides = [1, 1]} : vector<3125x128xf32> to vector<1x128xf32>
    %ge3A_860 = arith.constant 96 : i32
    %ge3A_861 = vector.broadcast %ge3A_860 : i32 to vector<1x128xi32>
    %ge3A_862 = arith.cmpi sge, %iota3A, %ge3A_861 : vector<1x128xi32>
    %lt3A_863 = arith.constant 128 : i32
    %lt3A_864 = vector.broadcast %lt3A_863 : i32 to vector<1x128xi32>
    %lt3A_865 = arith.cmpi slt, %iota3A, %lt3A_864 : vector<1x128xi32>
    %and3A_866 = arith.andi %ge3A_862, %lt3A_865 : vector<1x128xi1>
    %jit3A_867 = arith.constant -1.000000e+30 : f32
    %broadcast_in_dim3A_868 = vector.broadcast %jit3A_867 : f32 to vector<1x128xf32>
    %select_n3A_869 = arith.select %and3A_866, %slice3A_859, %broadcast_in_dim3A_868 : vector<1x128xi1>, vector<1x128xf32>
    %reduce_max3A_870 = vector.shape_cast %select_n3A_869 : vector<1x128xf32> to vector<1x1x128xf32>
    %reduce_max3A_871 = arith.constant dense<0xFF800000> : vector<1xf32>
    %reduce_max3A_872 = vector.multi_reduction <maximumf>, %reduce_max3A_870, %reduce_max3A_871 [1, 2] : vector<1x1x128xf32> to vector<1xf32>
    %reduce_max3A_873 = vector.shape_cast %reduce_max3A_872 : vector<1xf32> to vector<1x1x1xf32>
    %reduce_max3A_874 = vector.extract %reduce_max3A_873[0, 0, 0] : f32 from vector<1x1x1xf32>
    %max3A_875 = arith.maximumf %reduce_max3A_858, %reduce_max3A_874 : f32
    %max3A_876 = arith.constant 0.000000e+00 : f32
    %max3A_877 = arith.maximumf %max3A_875, %max3A_876 : f32
    %sub3A_878 = vector.broadcast %max3A_877 : f32 to vector<781x128xf32>
    %sub3A_879 = arith.subf %slice3A_853, %sub3A_878 : vector<781x128xf32>
    %exp3A_880 = math.exp %sub3A_879 : vector<781x128xf32>
    %reduce_sum3A_881 = vector.shape_cast %exp3A_880 : vector<781x128xf32> to vector<1x781x128xf32>
    %reduce_sum3A_882 = arith.constant dense<0.000000e+00> : vector<1xf32>
    %reduce_sum3A_883 = vector.multi_reduction <add>, %reduce_sum3A_881, %reduce_sum3A_882 [1, 2] : vector<1x781x128xf32> to vector<1xf32>
    %reduce_sum3A_884 = vector.shape_cast %reduce_sum3A_883 : vector<1xf32> to vector<1x1x1xf32>
    %reduce_sum3A_885 = vector.extract %reduce_sum3A_884[0, 0, 0] : f32 from vector<1x1x1xf32>
    %neg3A_886 = arith.constant 0.000000e+00 : f32
    %neg3A_887 = arith.subf %neg3A_886, %max3A_877 : f32
    %exp3A_888 = math.exp %neg3A_887 : f32
    %add3A_889 = arith.addf %reduce_sum3A_885, %exp3A_888 : f32
    %sub3A_890 = vector.broadcast %max3A_877 : f32 to vector<1x128xf32>
    %sub3A_891 = arith.subf %slice3A_859, %sub3A_890 : vector<1x128xf32>
    %exp3A_892 = math.exp %sub3A_891 : vector<1x128xf32>
    %jit3A_893 = arith.constant 0.000000e+00 : f32
    %broadcast_in_dim3A_894 = vector.broadcast %jit3A_893 : f32 to vector<1x128xf32>
    %select_n3A_895 = arith.select %and3A_866, %exp3A_892, %broadcast_in_dim3A_894 : vector<1x128xi1>, vector<1x128xf32>
    %reduce_sum3A_896 = vector.shape_cast %select_n3A_895 : vector<1x128xf32> to vector<1x1x128xf32>
    %reduce_sum3A_897 = arith.constant dense<0.000000e+00> : vector<1xf32>
    %reduce_sum3A_898 = vector.multi_reduction <add>, %reduce_sum3A_896, %reduce_sum3A_897 [1, 2] : vector<1x1x128xf32> to vector<1xf32>
    %reduce_sum3A_899 = vector.shape_cast %reduce_sum3A_898 : vector<1xf32> to vector<1x1x1xf32>
    %reduce_sum3A_900 = vector.extract %reduce_sum3A_899[0, 0, 0] : f32 from vector<1x1x1xf32>
    %add3A_901 = arith.addf %add3A_889, %reduce_sum3A_900 : f32
    %log3A_902 = math.log %add3A_901 : f32
    %add3A_903 = arith.addf %max3A_877, %log3A_902 : f32
    %slice3A_904 = vector.extract_strided_slice %get3A_1 {offsets = [7, 0], sizes = [1, 50], strides = [1, 1]} : vector<8x50xf32> to vector<1x50xf32>
    %reduce_max3A_905 = vector.shape_cast %slice3A_904 : vector<1x50xf32> to vector<1x1x50xf32>
    %reduce_max3A_906 = arith.constant dense<0xFF800000> : vector<1xf32>
    %reduce_max3A_907 = vector.multi_reduction <maximumf>, %reduce_max3A_905, %reduce_max3A_906 [1, 2] : vector<1x1x50xf32> to vector<1xf32>
    %reduce_max3A_908 = vector.shape_cast %reduce_max3A_907 : vector<1xf32> to vector<1x1x1xf32>
    %reduce_max3A_909 = vector.extract %reduce_max3A_908[0, 0, 0] : f32 from vector<1x1x1xf32>
    %sub3A_910 = vector.broadcast %reduce_max3A_909 : f32 to vector<1x50xf32>
    %sub3A_911 = arith.subf %slice3A_904, %sub3A_910 : vector<1x50xf32>
    %exp3A_912 = math.exp %sub3A_911 : vector<1x50xf32>
    %reduce_sum3A_913 = vector.shape_cast %exp3A_912 : vector<1x50xf32> to vector<1x1x50xf32>
    %reduce_sum3A_914 = arith.constant dense<0.000000e+00> : vector<1xf32>
    %reduce_sum3A_915 = vector.multi_reduction <add>, %reduce_sum3A_913, %reduce_sum3A_914 [1, 2] : vector<1x1x50xf32> to vector<1xf32>
    %reduce_sum3A_916 = vector.shape_cast %reduce_sum3A_915 : vector<1xf32> to vector<1x1x1xf32>
    %reduce_sum3A_917 = vector.extract %reduce_sum3A_916[0, 0, 0] : f32 from vector<1x1x1xf32>
    %log3A_918 = math.log %reduce_sum3A_917 : f32
    %add3A_919 = arith.addf %reduce_max3A_909, %log3A_918 : f32
    %neg3A_920 = arith.constant 0.000000e+00 : f32
    %neg3A_921 = vector.broadcast %neg3A_920 : f32 to vector<1x50xf32>
    %neg3A_922 = arith.subf %neg3A_921, %slice3A_904 : vector<1x50xf32>
    %reduce_max3A_923 = vector.shape_cast %neg3A_922 : vector<1x50xf32> to vector<1x1x50xf32>
    %reduce_max3A_924 = arith.constant dense<0xFF800000> : vector<1xf32>
    %reduce_max3A_925 = vector.multi_reduction <maximumf>, %reduce_max3A_923, %reduce_max3A_924 [1, 2] : vector<1x1x50xf32> to vector<1xf32>
    %reduce_max3A_926 = vector.shape_cast %reduce_max3A_925 : vector<1xf32> to vector<1x1x1xf32>
    %reduce_max3A_927 = vector.extract %reduce_max3A_926[0, 0, 0] : f32 from vector<1x1x1xf32>
    %max3A_928 = arith.constant 0.000000e+00 : f32
    %max3A_929 = arith.maximumf %reduce_max3A_927, %max3A_928 : f32
    %neg3A_930 = arith.constant 0.000000e+00 : f32
    %neg3A_931 = vector.broadcast %neg3A_930 : f32 to vector<1x50xf32>
    %neg3A_932 = arith.subf %neg3A_931, %slice3A_904 : vector<1x50xf32>
    %sub3A_933 = vector.broadcast %max3A_929 : f32 to vector<1x50xf32>
    %sub3A_934 = arith.subf %neg3A_932, %sub3A_933 : vector<1x50xf32>
    %exp3A_935 = math.exp %sub3A_934 : vector<1x50xf32>
    %reduce_sum3A_936 = vector.shape_cast %exp3A_935 : vector<1x50xf32> to vector<1x1x50xf32>
    %reduce_sum3A_937 = arith.constant dense<0.000000e+00> : vector<1xf32>
    %reduce_sum3A_938 = vector.multi_reduction <add>, %reduce_sum3A_936, %reduce_sum3A_937 [1, 2] : vector<1x1x50xf32> to vector<1xf32>
    %reduce_sum3A_939 = vector.shape_cast %reduce_sum3A_938 : vector<1xf32> to vector<1x1x1xf32>
    %reduce_sum3A_940 = vector.extract %reduce_sum3A_939[0, 0, 0] : f32 from vector<1x1x1xf32>
    %neg3A_941 = arith.constant 0.000000e+00 : f32
    %neg3A_942 = arith.subf %neg3A_941, %max3A_929 : f32
    %exp3A_943 = math.exp %neg3A_942 : f32
    %add3A_944 = arith.addf %reduce_sum3A_940, %exp3A_943 : f32
    %log3A_945 = math.log %add3A_944 : f32
    %add3A_946 = arith.addf %max3A_929, %log3A_945 : f32
    %sub3A_947 = arith.subf %add3A_919, %add3A_903 : f32
    %exp3A_948 = math.exp %sub3A_947 : f32
    %sub3A_949 = arith.constant 1.000000e+00 : f32
    %sub3A_950 = arith.subf %sub3A_949, %exp3A_948 : f32
    %jit3A_951 = arith.constant 1.000000e-07 : f32
    %jit3A_952 = arith.constant 1.000000e+00 : f32
    %max3A_953 = arith.maximumf %jit3A_951, %sub3A_950 : f32
    %min3A_954 = arith.minimumf %jit3A_952, %max3A_953 : f32
    %add3A_955 = arith.addf %add3A_946, %add3A_903 : f32
    %log3A_956 = math.log %min3A_954 : f32
    %add3A_957 = arith.addf %add3A_955, %log3A_956 : f32
    %reshape3A_958 = vector.broadcast %add3A_957 : f32 to vector<1x1xf32>
    %concatenate3A = tpu.concatenate %reshape3A, %reshape3A_230, %reshape3A_365, %reshape3A_471, %reshape3A_582, %reshape3A_717, %reshape3A_852, %reshape3A_958 in 0 : vector<1x1xf32>, vector<1x1xf32>, vector<1x1xf32>, vector<1x1xf32>, vector<1x1xf32>, vector<1x1xf32>, vector<1x1xf32>, vector<1x1xf32> -> vector<8x1xf32>
    %swap3A = arith.constant 0 : index
    %swap3A_959 = arith.constant 0 : index
    %swap3A_960 = vector.load %arg3[%swap3A, %swap3A_959] : memref<8x1xf32, #tpu.memory_space<vmem>>, vector<8x1xf32>
    tpu.vector_store %arg3[%swap3A, %swap3A_959], %concatenate3A {strides = array<i32>} : memref<8x1xf32, #tpu.memory_space<vmem>>, vector<8x1xf32>,
    return
  }
  func.func @transform_0(%arg0: i32) -> (i32, i32, i32) {
    %c0_i32 = arith.constant 0 : i32
    %c0_i32_0 = arith.constant 0 : i32
    %c0_i32_1 = arith.constant 0 : i32
    return %arg0, %c0_i32, %c0_i32_0 : i32, i32, i32
  }
  func.func @transform_1(%arg0: i32) -> (i32, i32) {
    %c0_i32 = arith.constant 0 : i32
    %c0_i32_0 = arith.constant 0 : i32
    return %arg0, %c0_i32 : i32, i32
  }
  func.func @transform_2(%arg0: i32) -> (i32, i32) {
    %c0_i32 = arith.constant 0 : i32
    %c0_i32_0 = arith.constant 0 : i32
    return %arg0, %c0_i32 : i32, i32
  }
}

</mosaic_0001>

<sc_bundles>
// kernel: kernel.4.cloned.1.call-start
scs
__scs_entry_jumppad:
0x0: {  	(pc) =	sbr.rel $0x88, $3  }
0x1: {  	(tag) =	ssettag $0x0;
	lr =	simm.s32 $0x1  }
0x2: {  	[smem:$0x3F9F] =	sst lr;
	_ =	strace $0xD0000000  }
0x3: {  	_ = 	snop  }
0x4: {  	_ = 	snop  }
0x5: {  	_ = 	snop  }
0x6: {  	_ = 	snop  }
0x7: {  	_ = 	snop  }
__scs_overlays_trampoline_lowered:
0x8: {  	[smem:$0x3FAE] =	sst s0  }
0x9: {  	[smem:$0x3FAF] =	sst s1  }
0xa: {  	[smem:$0x3FB0] =	sst s2  }
0xb: {  	[smem:$0x3FB1] =	sst s3  }
0xc: {  	[smem:$0x3FB2] =	sst s4  }
0xd: {  	[smem:$0x3FB3] =	sst s5  }
0xe: {  	[smem:$0x3FB4] =	sst s6  }
0xf: {  	[smem:$0x3FB5] =	sst s7  }
0x10: {  	[smem:$0x3FB6] =	sst s8  }
0x11: {  	[smem:$0x3FB7] =	sst s9;
	s0 =	simm.s32 @!p0 $0x0  }
0x12: {  	s1 =	sld [smem:$0x3F9D];
	s0 =	simm.s32 @p0 $0x1  }
0x13: {  	[smem:$0x3FB8] =	sst s0;
	s0 =	simm.s32 @!p1 $0x0  }
0x14: {  	s2 =	sld [smem:$0x3F9C];
	s0 =	simm.s32 @p1 $0x1  }
0x15: {  	[smem:$0x3FB9] =	sst s0;
	s0 =	simm.s32 @!p2 $0x0  }
0x16: {  	s3 =	sld [smem:$0x3FDB];
	s0 =	simm.s32 @p2 $0x1  }
0x17: {  	s4 =	simm.s32 $0x1BF5;
	[smem:$0x3FBB] =	sst s0  }
0x18: {  	s0 =	sld [smem:$0x3F9E];
	_ =	swait.ge [sflag:s4], $0x0  }
0x19: {  	s7 =	sld [smem:$0x3F9F]  }
0x1a: {  	s8 =	sadd.s32 $0xFFFFE003, lr  }
0x1b: {  	s9 =	sadd.s32 $0xFFFFFEF7, lr;
	s5 =	simm.s32 $0xFFFFFFFF;
	p2 =	slt.u32 s8, $0xFFFFF086  }
0x1c: {  	p1 =	slt.u32 s9, $0xF7A;
	s5 =	simm.s32 @!p2 $0x0  }
0x1d: {  	s5 =	simm.s32 @p1 $0x1;
	p0 =	seq.s32 s7, s2  }
0x1e: {  	s7 =	smul.u32 @!p0 $0xF7A, s2;
	p2 =	seq.s32 @!p0 s5, $0x0  }
0x1f: {  	s9 =	smul.u32 $0xF7A, s1;
	s8 =	simm.s32 @!p0 $0x1BF5;
	p2 =	por !p2, p0  }
0x20: {  	[sflag:s8] =	ssyncset.s32 @!p0 $0xFFFFF086;
	s6 =	sadd.s32 @!p0 s3, s7;
	s7 =	simm.s32 @!p0 $0x108  }
0x21: {  	s3 =	sadd.s32 s3, s9;
	s6 =	sadd.s32 @!p0 $0x88, s6;
	s7 =	simm.s32 @p2 $0x1082  }
0x22: {  	[simem:s7], [sflag:s8] =	dma.local @!p0 [hbm:s6], $0xF7A  }
0x23: {  	s9 =	sor.u32 $0xD0000000, s2;
	s6 =	simm.s32 $0x108;
	_ =	swait.ge @!p0 [sflag:s8], $0x0  }
0x24: {  	s3 =	sadd.s32 $0x88, s3;
	s6 =	simm.s32 @!p1 $0x1082;
	[sflag:s4] =	ssyncset.s32 $0xFFFFF086  }
0x25: {  	[simem:s6], [sflag:s4] =	dma.local [hbm:s3], $0xF7A  }
0x26: {  	[smem:$0x3F9F] =	sst s1;
	(tag) =	ssettag s2;
	_ =	strace s9  }
0x27: {  	s1 =	sld [smem:$0x3FAF]  }
0x28: {  	s2 =	sld [smem:$0x3FB0]  }
0x29: {  	s4 =	sld [smem:$0x3FB2]  }
0x2a: {  	p0 =	seq.s32 s5, $0x0;
	s5 =	sld [smem:$0x3FB3]  }
0x2b: {  	s6 =	sld [smem:$0x3FB4]  }
0x2c: {  	s7 =	sld [smem:$0x3FB5]  }
0x2d: {  	s3 =	simm.s32 $0x108;
	s8 =	sld [smem:$0x3FB6]  }
0x2e: {  	s3 =	simm.s32 @!p0 $0x1082;
	s9 =	sld [smem:$0x3FB7]  }
0x2f: {  	lr =	sadd.s32 s0, s3;
	s0 =	sld [smem:$0x3FAE]  }
0x30: {  	s3 =	sld [smem:$0x3FB1]  }
0x31: {  	[smem:$0x3FBA] =	sst s10  }
0x32: {  	s10 =	sld [smem:$0x3FB8];
	_ =	sdelay $0x3  }
0x33: {  	p0 =	seq.s32 s10, $0x1;
	s10 =	sld [smem:$0x3FBA];
	_ =	sdelay $0x3  }
0x34: {  	[smem:$0x3FBA] =	sst s10  }
0x35: {  	s10 =	sld [smem:$0x3FB9];
	_ =	sdelay $0x3  }
0x36: {  	p1 =	seq.s32 s10, $0x1;
	s10 =	sld [smem:$0x3FBA];
	_ =	sdelay $0x3  }
0x37: {  	[smem:$0x3FBA] =	sst s10  }
0x38: {  	s10 =	sld [smem:$0x3FBB]  }
0x39: {  	_ = 	snop;
	(pc) =	sbr.ind lr, $3  }
0x3a: {  	_ = 	snop  }
0x3b: {  	_ = 	snop  }
0x3c: {  	p2 =	seq.s32 s10, $0x1;
	s10 =	sld [smem:$0x3FBA]  }
0x3d: {  	_ =	shalt  }
0x3e: {  	_ =	shalt  }
0x3f: {  	_ =	shalt  }
0x40: {  	_ =	shalt  }
0x41: {  	_ =	shalt  }
0x42: {  	_ =	shalt  }
0x43: {  	_ =	shalt  }
0x44: {  	_ =	shalt  }
0x45: {  	_ =	shalt  }
0x46: {  	_ =	shalt  }
0x47: {  	_ =	shalt  }
0x48: {  	_ =	shalt  }
0x49: {  	_ =	shalt  }
0x4a: {  	_ =	shalt  }
0x4b: {  	_ =	shalt  }
0x4c: {  	_ =	shalt  }
0x4d: {  	_ =	shalt  }
0x4e: {  	_ =	shalt  }
0x4f: {  	_ =	shalt  }
0x50: {  	_ =	shalt  }
0x51: {  	_ =	shalt  }
0x52: {  	_ =	shalt  }
0x53: {  	_ =	shalt  }
0x54: {  	_ =	shalt  }
0x55: {  	_ =	shalt  }
0x56: {  	_ =	shalt  }
0x57: {  	_ =	shalt  }
0x58: {  	_ =	shalt  }
0x59: {  	_ =	shalt  }
0x5a: {  	_ =	shalt  }
0x5b: {  	_ =	shalt  }
0x5c: {  	_ =	shalt  }
0x5d: {  	_ =	shalt  }
0x5e: {  	_ =	shalt  }
0x5f: {  	_ =	shalt  }
0x60: {  	_ =	shalt  }
0x61: {  	_ =	shalt  }
0x62: {  	_ =	shalt  }
0x63: {  	_ =	shalt  }
0x64: {  	_ =	shalt  }
0x65: {  	_ =	shalt  }
0x66: {  	_ =	shalt  }
0x67: {  	_ =	shalt  }
0x68: {  	_ =	shalt  }
0x69: {  	_ =	shalt  }
0x6a: {  	_ =	shalt  }
0x6b: {  	_ =	shalt  }
0x6c: {  	_ =	shalt  }
0x6d: {  	_ =	shalt  }
0x6e: {  	_ =	shalt  }
0x6f: {  	_ =	shalt  }
0x70: {  	_ =	shalt  }
0x71: {  	_ =	shalt  }
0x72: {  	_ =	shalt  }
0x73: {  	_ =	shalt  }
0x74: {  	_ =	shalt  }
0x75: {  	_ =	shalt  }
0x76: {  	_ =	shalt  }
0x77: {  	_ =	shalt  }
0x78: {  	_ =	shalt  }
0x79: {  	_ =	shalt  }
0x7a: {  	_ =	shalt  }
0x7b: {  	_ =	shalt  }
0x7c: {  	_ =	shalt  }
0x7d: {  	_ =	shalt  }
0x7e: {  	_ =	shalt  }
0x7f: {  	_ =	shalt  }
0x80: {  	_ =	shalt  }
0x81: {  	_ =	shalt  }
0x82: {  	_ =	shalt  }
0x83: {  	_ =	shalt  }
0x84: {  	_ =	shalt  }
0x85: {  	_ =	shalt  }
0x86: {  	_ =	shalt  }
0x87: {  	_ =	shalt  }
.Lfunc_end0:
.L_simem_size_0:
called_computation_lowered:
.L_overlay_start_0:
0x88: {  	s2 =	sld [smem:$0x3FD9]  }
0x89: {  	s3 =	sld [smem:$0x3FFE];
	_ =	sdelay $0x1  }
0x8a: {  	s1 =	srdreg.scid  }
0x8b: {  	s0 =	sand.u32 $0x1, s1  }
0x8c: {  	s16 =	sshll.u32 s0, $0xA;
	s2 =	sadd.s32 s3, s2  }
0x8d: {  	s2 =	sadd.s32 s2, s16  }
0x8e: {  	[smem:$0x3FC6] =	sst s2  }
0x8f: {  	_ = 	snop  }
0x90: {  	(tm) =	ssettm $0x1  }
0x91: {  	s17 =	sld [smem:$0x3FFB];
	_ =	sdelay $0x3  }
0x92: {  	_ =	strace s17  }
0x93: {  	s2 =	sld [smem:$0x3FFC];
	_ =	sdelay $0x3  }
0x94: {  	_ =	strace s2  }
0x95: {  	s2 =	sld [smem:$0x3FFD];
	_ =	sdelay $0x3  }
0x96: {  	_ =	strace s2  }
0x97: {  	_ =	strace $0x8FFFFFFF  }
0x98: {  	s18 =	sld [smem:$0x3FDB];
	_ =	sdelay $0x1  }
0x99: {  	s19 =	simm.s32 $_scs_section_size  }
0x9a: {  	s4 =	simm.s32 $_size__tile_overlayer_lowered;
	s5 =	simm.s32 $_tile_overlayer_lowered  }
0x9b: {  	s22 =	simm.s32 $0x1BFF;
	s21 =	sshll.u32 s5, $0x1;
	s2 =	sadd.s32 s19, s18  }
0x9c: {  	s6 =	simm.s32 $0x0;
	s20 =	sshll.u32 s4, $0x1;
	s4 =	sadd.s32 s21, s2  }
0x9d: {  	[timem:s6], [sflag:s22] =	dma.local [hbm:s4], s20  }
0x9e: {  	_ =	swait.ge [sflag:s22], s20  }
0x9f: {  	s3 =	ssub.s32 $0x0, s20;
	[sflag:s22] =	ssyncset.done $0x0  }
0xa0: {  	[sflag:s22] =	ssyncadd.s32 s3;
	_ =	sdelay $0x1  }
0xa1: {  	s23 =	simm.s32 $0x1B8B  }
0xa2: {  	_ =	swait.ge [sflag:s23], $0x1  }
0xa3: {  	[sflag:s23] =	ssyncset.done $0x0  }
0xa4: {  	s25 =	simm.s32 $0x1B8E;
	s24 =	sld [smem:$0x3FFE];
	[sflag:s23] =	ssyncadd.s32 $0xFFFFFFFF  }
0xa5: {  	s26 =	simm.s32 $execute0_lowered;
	[smem:$0x3FD2] =	sst s25  }
0xa6: {  	s4 =	sshll.u32 s26, $0x1;
	_ =	strace $0x80000046;
	[dreg:$0x1] =	wrdreg $0xFFFFFFFF  }
0xa7: {  	s28 =	simm.s32 $_size_execute0_lowered;
	s2 =	sadd.s32 s2, s4;
	[dreg:$0x0] =	wrdreg $0x0  }
0xa8: {  	s4 =	sshll.u32 s28, $0x1;
	[dreg:$0x2] =	wrdreg s2  }
0xa9: {  	[dreg:$0x3] =	wrdreg s4  }
0xaa: {  	[dreg:$0x4] =	wrdreg $0xC0  }
0xab: {  	_ =	task [dreg:s6], $0x5FFFF  }
0xac: {  	[dreg:$0x1] =	wrdreg $0xFFFFFFFF  }
0xad: {  	[dreg:$0x0] =	wrdreg $0x60  }
0xae: {  	[dreg:$0x2] =	wrdreg s24  }
0xaf: {  	[dreg:$0x3] =	wrdreg $0x9  }
0xb0: {  	_ =	task.clear_ibuf [dreg:s6], $0x4FFFF;
	_ =	strace $0x90000046  }
0xb1: {  	s29 =	simm.s32 $0x9;
	_ =	strace $0x80000048  }
0xb2: {  	_ =	swait.ge [sflag:s29], $0x1  }
0xb3: {  	[sflag:s29] =	ssyncadd.s32 $0xFFFFFFFF  }
0xb4: {  	_ =	strace $0x90000048  }
0xb5: {  	_ =	sfence  }
0xb6: {  	s30 =	sld [smem:$0x0];
	_ =	sdelay $0x2  }
0xb7: {  	s31 =	sshll.u32 s1, $0xD;
	s1 =	sshrl.u32 s1, $0x2  }
0xb8: {  	s3 =	sand.u32 $0x4000, s31;
	s1 =	sadd.s32 s1, s30  }
0xb9: {  	s0 =	sor.u32 s3, s0;
	s1 =	sshll.u32 s1, $0x11  }
0xba: {  	s0 =	sor.u32 s1, s0  }
0xbb: {  	s0 =	sadd.s32 $0x8F2B, s0  }
0xbc: {  	[sflag:s0] =	ssyncadd.remote.s32 $0x1  }
0xbd: {  	_ =	sfence.sel $0xFFFF  }
0xbe: {  	[dreg:$0x0] =	wrdreg $0xFFFFFFFF;
	(pc) =	sbr.abs _section_cstart, $3  }
0xbf: {  	[dreg:$0x1] =	wrdreg $0xFFFFFFFF  }
0xc0: {  	_ =	task.clear_ibuf [dreg:s6], $0x2FFFF;
	_ =	strace $0x9FFFFFFF  }
0xc1: {  	(tm) =	ssettm $0x7FFFFFFF  }
tec
execute0_lowered:
.L_overlay_start_1:
0x0: {  	(tag) =	ssettag $0x1  }
0x1: {  	s0 =	rddreg [dreg:$0x0]  }
0x2: {  	s1 =	srdreg.scid;
	s3 =	stileid.u32  }
0x3: {  	s2 =	simm.s32 $0x0;
	s7 =	simm.s32 $0x80;
	s8 =	simm.s32 $0x880  }
0x4: {  	s9 =	simm.s32 $0x100;
	s10 =	simm.s32 $0x900;
	s11 =	simm.s32 $0x180  }
0x5: {  	s12 =	simm.s32 $0x980;
	s13 =	simm.s32 $0x200;
	s14 =	simm.s32 $0xA00  }
0x6: {  	s15 =	simm.s32 $0x280;
	s16 =	simm.s32 $0xA80;
	s17 =	simm.s32 $0x300  }
0x7: {  	s18 =	simm.s32 $0xB00;
	s19 =	simm.s32 $0x380;
	s20 =	simm.s32 $0xB80  }
0x8: {  	s21 =	simm.s32 $0x400;
	s22 =	simm.s32 $0xC00;
	s23 =	simm.s32 $0x480  }
0x9: {  	s24 =	simm.s32 $0xC80;
	s1 =	sand.u32 $0x1, s1;
	s3 =	sshll.u32 s3, $0x1  }
0xa: {  	p0 =	por $0x0, $0x0;
	s3 =	sor.u32 s1, s3;
	s1 =	ssub.s32 $0x2, s1  }
0xb: {  	s28 =	simm.s32 $0x580;
	s29 =	simm.s32 $0xD80;
	s25 =	sshrl.u32 s1, $0x1  }
0xc: {  	s30 =	simm.s32 $0x600;
	s31 =	simm.s32 $0xE00;
	s1 =	ssub.s32 s1, s25  }
0xd: {  	s6 =	simm.s32 $0x1;
	[smem:$0x7FF] =	sst s2;
	s26 =	smax.u32 s1, $0x1  }
0xe: {  	s4 =	sshll.u32 s3, $0x8;
	s3 =	smul.u32 $0xC8, s3;
	p1 =	sne.s32 s26, $0x1  }
.Ltmp0:
0xf: {  	s5 =	sadd.s32 $0xC38400, s0;
	s4 =	sadd.s32 s4, s0;
	(pc) =	sbr.rel @!p1 .LBB2_3-.Ltmp0, $4  }
0x10: {  	_ =	strace $0x80000047;
	s0 =	sadd.s32 s3, s0;
	s4 =	sadd.s32 $0x186D400, s4  }
0x11: {  	s25 =	simm.s32 $0x500;
	[dreg:$0x2] =	wrdreg s4;
	s0 =	sadd.s32 $0x186F400, s0  }
0x12: {  	s3 =	simm.s32 $0x2;
	s4 =	simm.s32 $0x800;
	[dreg:$0x3] =	wrdreg s0  }
0x13: {  	s0 =	sadd.s32 $0xFFFFFFFF, s26;
	s26 =	simm.s32 $0xD00;
	s1 =	rddreg [dreg:$0x2]  }
0x14: {  	[tilespmem:s2], [sflag:$0x2] =	stream.linear.gather [hbm4b:s1+s2], $0x680, $0x38;
	[tilespmem:$0xE80] =	vst v63  }
0x15: {  	_ =	swait.ge [sflag:s3], $0x680  }
0x16: {  	[sflag:s3] =	ssyncset.done $0x0  }
0x17: {  	[sflag:s3] =	ssyncadd.s32 $0xFFFFF980  }
0x18: {  	[tilespmem:s4], [sflag:$0x1] =	stream.indirect.gather [hbm4b:s5+s7], $0x1, s2, s7, $0xb8;
	[tilespmem:$0xE80] =	vst v63  }
0x19: {  	_ = 	snop  }
0x1a: {  	[tilespmem:s8], [sflag:$0x1] =	stream.indirect.gather [hbm4b:s5+s7], $0x1, s7, s7, $0xb8;
	[tilespmem:$0xE80] =	vst v63  }
0x1b: {  	_ = 	snop  }
0x1c: {  	[tilespmem:s10], [sflag:$0x1] =	stream.indirect.gather [hbm4b:s5+s7], $0x1, s9, s7, $0xb8;
	[tilespmem:$0xE80] =	vst v63  }
0x1d: {  	_ = 	snop  }
0x1e: {  	[tilespmem:s12], [sflag:$0x1] =	stream.indirect.gather [hbm4b:s5+s7], $0x1, s11, s7, $0xb8;
	[tilespmem:$0xE80] =	vst v63  }
0x1f: {  	_ = 	snop  }
0x20: {  	[tilespmem:s14], [sflag:$0x1] =	stream.indirect.gather [hbm4b:s5+s7], $0x1, s13, s7, $0xb8;
	[tilespmem:$0xE80] =	vst v63  }
0x21: {  	_ = 	snop  }
0x22: {  	[tilespmem:s16], [sflag:$0x1] =	stream.indirect.gather [hbm4b:s5+s7], $0x1, s15, s7, $0xb8;
	[tilespmem:$0xE80] =	vst v63  }
0x23: {  	_ = 	snop  }
0x24: {  	[tilespmem:s18], [sflag:$0x1] =	stream.indirect.gather [hbm4b:s5+s7], $0x1, s17, s7, $0xb8;
	[tilespmem:$0xE80] =	vst v63  }
0x25: {  	_ = 	snop  }
0x26: {  	[tilespmem:s20], [sflag:$0x1] =	stream.indirect.gather [hbm4b:s5+s7], $0x1, s19, s7, $0xb8;
	[tilespmem:$0xE80] =	vst v63  }
0x27: {  	_ = 	snop  }
0x28: {  	[tilespmem:s22], [sflag:$0x1] =	stream.indirect.gather [hbm4b:s5+s7], $0x1, s21, s7, $0xb8;
	[tilespmem:$0xE80] =	vst v63  }
0x29: {  	_ = 	snop  }
0x2a: {  	[tilespmem:s24], [sflag:$0x1] =	stream.indirect.gather [hbm4b:s5+s7], $0x1, s23, s7, $0xb8;
	[tilespmem:$0xE80] =	vst v63  }
0x2b: {  	_ = 	snop  }
0x2c: {  	[tilespmem:s26], [sflag:$0x1] =	stream.indirect.gather [hbm4b:s5+s7], $0x1, s25, s7, $0xb8;
	[tilespmem:$0xE80] =	vst v63  }
0x2d: {  	_ = 	snop  }
0x2e: {  	[tilespmem:s29], [sflag:$0x1] =	stream.indirect.gather [hbm4b:s5+s7], $0x1, s28, s7, $0xb8;
	[tilespmem:$0xE80] =	vst v63  }
0x2f: {  	_ = 	snop  }
0x30: {  	[tilespmem:s31], [sflag:$0x1] =	stream.indirect.gather [hbm4b:s5+s7], $0x1, s30, s7, $0xb8;
	[tilespmem:$0xE80] =	vst v63  }
0x31: {  	_ =	swait.ge [sflag:s6], $0x80  }
0x32: {  	[sflag:s6] =	ssyncset.done $0x0  }
0x33: {  	[sflag:s6] =	ssyncadd.s32 $0xFFFFFF80  }
0x34: {  	_ =	swait.ge [sflag:s6], $0x80  }
0x35: {  	[sflag:s6] =	ssyncset.done $0x0  }
0x36: {  	[sflag:s6] =	ssyncadd.s32 $0xFFFFFF80  }
0x37: {  	_ =	swait.ge [sflag:s6], $0x80  }
0x38: {  	[sflag:s6] =	ssyncset.done $0x0  }
0x39: {  	[sflag:s6] =	ssyncadd.s32 $0xFFFFFF80  }
0x3a: {  	_ =	swait.ge [sflag:s6], $0x80  }
0x3b: {  	[sflag:s6] =	ssyncset.done $0x0  }
0x3c: {  	[sflag:s6] =	ssyncadd.s32 $0xFFFFFF80  }
0x3d: {  	_ =	swait.ge [sflag:s6], $0x80  }
0x3e: {  	[sflag:s6] =	ssyncset.done $0x0  }
0x3f: {  	[sflag:s6] =	ssyncadd.s32 $0xFFFFFF80  }
0x40: {  	_ =	swait.ge [sflag:s6], $0x80  }
0x41: {  	[sflag:s6] =	ssyncset.done $0x0  }
0x42: {  	[sflag:s6] =	ssyncadd.s32 $0xFFFFFF80  }
0x43: {  	_ =	swait.ge [sflag:s6], $0x80  }
0x44: {  	[sflag:s6] =	ssyncset.done $0x0  }
0x45: {  	[sflag:s6] =	ssyncadd.s32 $0xFFFFFF80  }
0x46: {  	_ =	swait.ge [sflag:s6], $0x80  }
0x47: {  	[sflag:s6] =	ssyncset.done $0x0  }
0x48: {  	[sflag:s6] =	ssyncadd.s32 $0xFFFFFF80  }
0x49: {  	_ =	swait.ge [sflag:s6], $0x80  }
0x4a: {  	[sflag:s6] =	ssyncset.done $0x0  }
0x4b: {  	[sflag:s6] =	ssyncadd.s32 $0xFFFFFF80  }
0x4c: {  	_ =	swait.ge [sflag:s6], $0x80  }
0x4d: {  	[sflag:s6] =	ssyncset.done $0x0  }
0x4e: {  	[sflag:s6] =	ssyncadd.s32 $0xFFFFFF80  }
0x4f: {  	_ =	swait.ge [sflag:s6], $0x80  }
0x50: {  	[sflag:s6] =	ssyncset.done $0x0  }
0x51: {  	[sflag:s6] =	ssyncadd.s32 $0xFFFFFF80  }
0x52: {  	_ =	swait.ge [sflag:s6], $0x80  }
0x53: {  	[sflag:s6] =	ssyncset.done $0x0  }
0x54: {  	[sflag:s6] =	ssyncadd.s32 $0xFFFFFF80  }
0x55: {  	p1 =	sne.s32 s0, $0x1;
	_ =	swait.ge [sflag:s6], $0x80  }
.Ltmp1:
0x56: {  	[sflag:s6] =	ssyncset.done $0x0;
	(pc) =	sbr.rel @!p1 .LBB2_3-.Ltmp1, $4  }
0x57: {  	s1 =	rddreg [dreg:$0x3];
	[sflag:s6] =	ssyncadd.s32 $0xFFFFFF80  }
0x58: {  	[hbm4b:s1+s2] =	stream.linear.scatter [tilespmem:s4], [sflag:$0x2], $0x640, $0x38;
	[tilespmem:$0xE80] =	vst v63  }
0x59: {  	s0 =	sadd.s32 $0xFFFFFFFF, s0;
	_ =	swait.ge [sflag:s3], $0x640  }
0x5a: {  	p0 =	por $0x1, $0x1;
	s1 =	rddreg [dreg:$0x2];
	[sflag:s3] =	ssyncset.done $0x0  }
.LBB2_2:
0x5b: {  	[sflag:s3] =	ssyncadd.s32 $0xFFFFF9C0  }
0x5c: {  	[tilespmem:s2], [sflag:$0x2] =	stream.linear.gather [hbm4b:s1+s2], $0x680, $0x38;
	[tilespmem:$0xE80] =	vst v63  }
0x5d: {  	_ =	swait.ge [sflag:s3], $0x680  }
0x5e: {  	[sflag:s3] =	ssyncset.done $0x0  }
0x5f: {  	[sflag:s3] =	ssyncadd.s32 $0xFFFFF980  }
0x60: {  	[tilespmem:s4], [sflag:$0x1] =	stream.indirect.gather [hbm4b:s5+s7], $0x1, s2, s7, $0xb8;
	[tilespmem:$0xE80] =	vst v63  }
0x61: {  	_ = 	snop  }
0x62: {  	[tilespmem:s8], [sflag:$0x1] =	stream.indirect.gather [hbm4b:s5+s7], $0x1, s7, s7, $0xb8;
	[tilespmem:$0xE80] =	vst v63  }
0x63: {  	_ = 	snop  }
0x64: {  	[tilespmem:s10], [sflag:$0x1] =	stream.indirect.gather [hbm4b:s5+s7], $0x1, s9, s7, $0xb8;
	[tilespmem:$0xE80] =	vst v63  }
0x65: {  	_ = 	snop  }
0x66: {  	[tilespmem:s12], [sflag:$0x1] =	stream.indirect.gather [hbm4b:s5+s7], $0x1, s11, s7, $0xb8;
	[tilespmem:$0xE80] =	vst v63  }
0x67: {  	_ = 	snop  }
0x68: {  	[tilespmem:s14], [sflag:$0x1] =	stream.indirect.gather [hbm4b:s5+s7], $0x1, s13, s7, $0xb8;
	[tilespmem:$0xE80] =	vst v63  }
0x69: {  	_ = 	snop  }
0x6a: {  	[tilespmem:s16], [sflag:$0x1] =	stream.indirect.gather [hbm4b:s5+s7], $0x1, s15, s7, $0xb8;
	[tilespmem:$0xE80] =	vst v63  }
0x6b: {  	_ = 	snop  }
0x6c: {  	[tilespmem:s18], [sflag:$0x1] =	stream.indirect.gather [hbm4b:s5+s7], $0x1, s17, s7, $0xb8;
	[tilespmem:$0xE80] =	vst v63  }
0x6d: {  	_ = 	snop  }
0x6e: {  	[tilespmem:s20], [sflag:$0x1] =	stream.indirect.gather [hbm4b:s5+s7], $0x1, s19, s7, $0xb8;
	[tilespmem:$0xE80] =	vst v63  }
0x6f: {  	_ = 	snop  }
0x70: {  	[tilespmem:s22], [sflag:$0x1] =	stream.indirect.gather [hbm4b:s5+s7], $0x1, s21, s7, $0xb8;
	[tilespmem:$0xE80] =	vst v63  }
0x71: {  	_ = 	snop  }
0x72: {  	[tilespmem:s24], [sflag:$0x1] =	stream.indirect.gather [hbm4b:s5+s7], $0x1, s23, s7, $0xb8;
	[tilespmem:$0xE80] =	vst v63  }
0x73: {  	_ = 	snop  }
0x74: {  	[tilespmem:s26], [sflag:$0x1] =	stream.indirect.gather [hbm4b:s5+s7], $0x1, s25, s7, $0xb8;
	[tilespmem:$0xE80] =	vst v63  }
0x75: {  	_ = 	snop  }
0x76: {  	[tilespmem:s29], [sflag:$0x1] =	stream.indirect.gather [hbm4b:s5+s7], $0x1, s28, s7, $0xb8;
	[tilespmem:$0xE80] =	vst v63  }
0x77: {  	_ = 	snop  }
0x78: {  	[tilespmem:s31], [sflag:$0x1] =	stream.indirect.gather [hbm4b:s5+s7], $0x1, s30, s7, $0xb8;
	[tilespmem:$0xE80] =	vst v63  }
0x79: {  	_ =	swait.ge [sflag:s6], $0x80  }
0x7a: {  	[sflag:s6] =	ssyncset.done $0x0  }
0x7b: {  	[sflag:s6] =	ssyncadd.s32 $0xFFFFFF80  }
0x7c: {  	_ =	swait.ge [sflag:s6], $0x80  }
0x7d: {  	[sflag:s6] =	ssyncset.done $0x0  }
0x7e: {  	[sflag:s6] =	ssyncadd.s32 $0xFFFFFF80  }
0x7f: {  	_ =	swait.ge [sflag:s6], $0x80  }
0x80: {  	[sflag:s6] =	ssyncset.done $0x0  }
0x81: {  	[sflag:s6] =	ssyncadd.s32 $0xFFFFFF80  }
0x82: {  	_ =	swait.ge [sflag:s6], $0x80  }
0x83: {  	[sflag:s6] =	ssyncset.done $0x0  }
0x84: {  	[sflag:s6] =	ssyncadd.s32 $0xFFFFFF80  }
0x85: {  	_ =	swait.ge [sflag:s6], $0x80  }
0x86: {  	[sflag:s6] =	ssyncset.done $0x0  }
0x87: {  	[sflag:s6] =	ssyncadd.s32 $0xFFFFFF80  }
0x88: {  	_ =	swait.ge [sflag:s6], $0x80  }
0x89: {  	[sflag:s6] =	ssyncset.done $0x0  }
0x8a: {  	[sflag:s6] =	ssyncadd.s32 $0xFFFFFF80  }
0x8b: {  	_ =	swait.ge [sflag:s6], $0x80  }
0x8c: {  	[sflag:s6] =	ssyncset.done $0x0  }
0x8d: {  	[sflag:s6] =	ssyncadd.s32 $0xFFFFFF80  }
0x8e: {  	_ =	swait.ge [sflag:s6], $0x80  }
0x8f: {  	[sflag:s6] =	ssyncset.done $0x0  }
0x90: {  	[sflag:s6] =	ssyncadd.s32 $0xFFFFFF80  }
0x91: {  	_ =	swait.ge [sflag:s6], $0x80  }
0x92: {  	[sflag:s6] =	ssyncset.done $0x0  }
0x93: {  	[sflag:s6] =	ssyncadd.s32 $0xFFFFFF80  }
0x94: {  	_ =	swait.ge [sflag:s6], $0x80  }
0x95: {  	[sflag:s6] =	ssyncset.done $0x0  }
0x96: {  	[sflag:s6] =	ssyncadd.s32 $0xFFFFFF80  }
0x97: {  	_ =	swait.ge [sflag:s6], $0x80  }
0x98: {  	[sflag:s6] =	ssyncset.done $0x0  }
0x99: {  	[sflag:s6] =	ssyncadd.s32 $0xFFFFFF80  }
0x9a: {  	_ =	swait.ge [sflag:s6], $0x80  }
0x9b: {  	[sflag:s6] =	ssyncset.done $0x0  }
0x9c: {  	[sflag:s6] =	ssyncadd.s32 $0xFFFFFF80  }
0x9d: {  	p1 =	sne.s32 s0, $0x1;
	_ =	swait.ge [sflag:s6], $0x80  }
.Ltmp2:
0x9e: {  	[sflag:s6] =	ssyncset.done $0x0;
	(pc) =	sbr.rel @p1 .LBB2_2-.Ltmp2, $4  }
0x9f: {  	s1 =	rddreg [dreg:$0x3];
	[sflag:s6] =	ssyncadd.s32 $0xFFFFFF80  }
0xa0: {  	[hbm4b:s1+s2] =	stream.linear.scatter [tilespmem:s4], [sflag:$0x2], $0x640, $0x38;
	[tilespmem:$0xE80] =	vst v63  }
0xa1: {  	_ =	swait.ge [sflag:s3], $0x640  }
0xa2: {  	s0 =	sadd.s32 $0xFFFFFFFF, s0;
	s1 =	rddreg [dreg:$0x2];
	[sflag:s3] =	ssyncset.done $0x0  }
.LBB2_3:
0xa3: {  	[sflag:s3] =	ssyncadd.s32 @p0 $0xFFFFF9C0  }
0xa4: {  	[tilespmem:s2], [sflag:$0x2] =	stream.linear.gather [hbm4b:s1+s2], $0x680, $0x38;
	[tilespmem:$0xE80] =	vst v63  }
0xa5: {  	_ =	swait.ge [sflag:s3], $0x680  }
0xa6: {  	[sflag:s3] =	ssyncset.done $0x0  }
0xa7: {  	[sflag:s3] =	ssyncadd.s32 $0xFFFFF980  }
0xa8: {  	[tilespmem:s4], [sflag:$0x1] =	stream.indirect.gather [hbm4b:s5+s7], $0x1, s2, s7, $0xb8;
	[tilespmem:$0xE80] =	vst v63  }
0xa9: {  	_ = 	snop  }
0xaa: {  	[tilespmem:s8], [sflag:$0x1] =	stream.indirect.gather [hbm4b:s5+s7], $0x1, s7, s7, $0xb8;
	[tilespmem:$0xE80] =	vst v63  }
0xab: {  	_ = 	snop  }
0xac: {  	[tilespmem:s10], [sflag:$0x1] =	stream.indirect.gather [hbm4b:s5+s7], $0x1, s9, s7, $0xb8;
	[tilespmem:$0xE80] =	vst v63  }
0xad: {  	_ = 	snop  }
0xae: {  	[tilespmem:s12], [sflag:$0x1] =	stream.indirect.gather [hbm4b:s5+s7], $0x1, s11, s7, $0xb8;
	[tilespmem:$0xE80] =	vst v63  }
0xaf: {  	_ = 	snop  }
0xb0: {  	[tilespmem:s14], [sflag:$0x1] =	stream.indirect.gather [hbm4b:s5+s7], $0x1, s13, s7, $0xb8;
	[tilespmem:$0xE80] =	vst v63  }
0xb1: {  	_ = 	snop  }
0xb2: {  	[tilespmem:s16], [sflag:$0x1] =	stream.indirect.gather [hbm4b:s5+s7], $0x1, s15, s7, $0xb8;
	[tilespmem:$0xE80] =	vst v63  }
0xb3: {  	_ = 	snop  }
0xb4: {  	[tilespmem:s18], [sflag:$0x1] =	stream.indirect.gather [hbm4b:s5+s7], $0x1, s17, s7, $0xb8;
	[tilespmem:$0xE80] =	vst v63  }
0xb5: {  	_ = 	snop  }
0xb6: {  	[tilespmem:s20], [sflag:$0x1] =	stream.indirect.gather [hbm4b:s5+s7], $0x1, s19, s7, $0xb8;
	[tilespmem:$0xE80] =	vst v63  }
0xb7: {  	_ = 	snop  }
0xb8: {  	[tilespmem:s22], [sflag:$0x1] =	stream.indirect.gather [hbm4b:s5+s7], $0x1, s21, s7, $0xb8;
	[tilespmem:$0xE80] =	vst v63  }
0xb9: {  	_ = 	snop  }
0xba: {  	[tilespmem:s24], [sflag:$0x1] =	stream.indirect.gather [hbm4b:s5+s7], $0x1, s23, s7, $0xb8;
	[tilespmem:$0xE80] =	vst v63  }
0xbb: {  	_ = 	snop  }
0xbc: {  	[tilespmem:s26], [sflag:$0x1] =	stream.indirect.gather [hbm4b:s5+s7], $0x1, s25, s7, $0xb8;
	[tilespmem:$0xE80] =	vst v63  }
0xbd: {  	_ = 	snop  }
0xbe: {  	[tilespmem:s29], [sflag:$0x1] =	stream.indirect.gather [hbm4b:s5+s7], $0x1, s28, s7, $0xb8;
	[tilespmem:$0xE80] =	vst v63  }
0xbf: {  	_ = 	snop  }
0xc0: {  	[tilespmem:s31], [sflag:$0x1] =	stream.indirect.gather [hbm4b:s5+s7], $0x1, s30, s7, $0xb8;
	[tilespmem:$0xE80] =	vst v63  }
0xc1: {  	_ =	swait.ge [sflag:s6], $0x80  }
0xc2: {  	[sflag:s6] =	ssyncset.done $0x0  }
0xc3: {  	[sflag:s6] =	ssyncadd.s32 $0xFFFFFF80  }
0xc4: {  	_ =	swait.ge [sflag:s6], $0x80  }
0xc5: {  	[sflag:s6] =	ssyncset.done $0x0  }
0xc6: {  	[sflag:s6] =	ssyncadd.s32 $0xFFFFFF80  }
0xc7: {  	_ =	swait.ge [sflag:s6], $0x80  }
0xc8: {  	[sflag:s6] =	ssyncset.done $0x0  }
0xc9: {  	[sflag:s6] =	ssyncadd.s32 $0xFFFFFF80  }
0xca: {  	_ =	swait.ge [sflag:s6], $0x80  }
0xcb: {  	[sflag:s6] =	ssyncset.done $0x0  }
0xcc: {  	[sflag:s6] =	ssyncadd.s32 $0xFFFFFF80  }
0xcd: {  	_ =	swait.ge [sflag:s6], $0x80  }
0xce: {  	[sflag:s6] =	ssyncset.done $0x0  }
0xcf: {  	[sflag:s6] =	ssyncadd.s32 $0xFFFFFF80  }
0xd0: {  	_ =	swait.ge [sflag:s6], $0x80  }
0xd1: {  	[sflag:s6] =	ssyncset.done $0x0  }
0xd2: {  	[sflag:s6] =	ssyncadd.s32 $0xFFFFFF80  }
0xd3: {  	_ =	swait.ge [sflag:s6], $0x80  }
0xd4: {  	[sflag:s6] =	ssyncset.done $0x0  }
0xd5: {  	[sflag:s6] =	ssyncadd.s32 $0xFFFFFF80  }
0xd6: {  	_ =	swait.ge [sflag:s6], $0x80  }
0xd7: {  	[sflag:s6] =	ssyncset.done $0x0  }
0xd8: {  	[sflag:s6] =	ssyncadd.s32 $0xFFFFFF80  }
0xd9: {  	_ =	swait.ge [sflag:s6], $0x80  }
0xda: {  	[sflag:s6] =	ssyncset.done $0x0  }
0xdb: {  	[sflag:s6] =	ssyncadd.s32 $0xFFFFFF80  }
0xdc: {  	_ =	swait.ge [sflag:s6], $0x80  }
0xdd: {  	[sflag:s6] =	ssyncset.done $0x0  }
0xde: {  	[sflag:s6] =	ssyncadd.s32 $0xFFFFFF80  }
0xdf: {  	_ =	swait.ge [sflag:s6], $0x80  }
0xe0: {  	[sflag:s6] =	ssyncset.done $0x0  }
0xe1: {  	[sflag:s6] =	ssyncadd.s32 $0xFFFFFF80  }
0xe2: {  	_ =	swait.ge [sflag:s6], $0x80  }
0xe3: {  	[sflag:s6] =	ssyncset.done $0x0  }
0xe4: {  	[sflag:s6] =	ssyncadd.s32 $0xFFFFFF80  }
0xe5: {  	_ =	swait.ge [sflag:s6], $0x80  }
0xe6: {  	[sflag:s6] =	ssyncset.done $0x0  }
0xe7: {  	s0 =	rddreg [dreg:$0x3];
	[sflag:s6] =	ssyncadd.s32 $0xFFFFFF80  }
0xe8: {  	[hbm4b:s0+s2] =	stream.linear.scatter [tilespmem:s4], [sflag:$0x2], $0x640, $0x38;
	[tilespmem:$0xE80] =	vst v63  }
0xe9: {  	_ =	swait.ge [sflag:s3], $0x640  }
0xea: {  	[sflag:s3] =	ssyncset.done $0x0  }
0xeb: {  	[sflag:s3] =	ssyncadd.s32 $0xFFFFF9C0  }
0xec: {  	_ =	sfence.sel $0x180000  }
0xed: {  	[bflag:$0x0] =	sbarrier.arrive $0xFFFF  }
0xee: {  	_ =	strace $0x90000047  }
0xef: {  	s31 =	stileid.u32;
	[bflag:$0x2] =	sbarrier.arrive $0xFFFF  }
0xf0: {  	p0 =	sne.s32 s31, $0x0;
	s0 =	rddreg [dreg:$0x1]  }
0xf1: {  	s0 =	sadd.s32 @!p0 $0x100000, s0  }
0xf2: {  	[sflag:s0] =	ssyncadd.tile.s32 @!p0 $0x1;
	_ =	shalt  }
.Lfunc_end2:
_tile_overlayer_lowered:
.L_overlay_start_2:
0xf3: {  	(tag) =	ssettag $0x2  }
0xf4: {  	s0 =	rddreg [dreg:$0x0];
	s2 =	stileid.u32  }
0xf5: {  	s1 =	rddreg [dreg:$0x1];
	p0 =	sne.s32 s2, $0x0  }
0xf6: {  	s3 =	rddreg [dreg:$0x2];
	[bflag:$0x3] =	sbarrier.arrive $0xFFFF;
	s2 =	simm.s32 @!p0 $0x1C02  }
0xf7: {  	[timem:s3], [sflag:s2] =	dma.local @!p0 [hbm:s0], s1  }
0xf8: {  	s0 =	simm.s32 @!p0 $0x2  }
0xf9: {  	_ =	swait.ge @!p0 [sflag:s0], s1  }
0xfa: {  	s1 =	ssub.s32 @!p0 $0x0, s1;
	[sflag:s0] =	ssyncset.done @!p0 $0x0  }
0xfb: {  	[sflag:s0] =	ssyncadd.s32 @!p0 s1  }
0xfc: {  	[bflag:$0x3] =	sbarrier.arrive $0xFFFF  }
0xfd: {  	_ =	shalt  }

</sc_bundles>
